<compile_context>
chip_gen: v7x
topology: tpu7x:2x2x1
jax: 0.10.2.dev20260603
libtpu: 0.0.44.dev20260713+nightly
codegen_flags: <defaults>
</compile_context>

<pallas_src>
import functools

import jax
import jax.numpy as jnp
from jax import lax
from jax.experimental import pallas as pl
from jax.experimental.pallas import tpu as pltpu
from jax.experimental.pallas import tpu_sc as plsc

N = 10000
F = 128
E = 320000
NC = 2
NS = 16
T = NC * NS
EPT = E // T
B = 128
NB = -(-EPT // B)
EPAD = NB * B
NP = 10240
ROWS_PT = NP // NS
CH = ROWS_PT // 4
DF = 16
HF = F // 2
EPT2 = E // NS
NB2 = -(-EPT2 // B)
EPAD2 = NB2 * B
BLK = 1000


def _mesh():
    return plsc.VectorSubcoreMesh(core_axis_name="c", subcore_axis_name="s",
                                  num_cores=NC, num_subcores=NS)


@functools.cache
def _sc_degree_kernel():
    @functools.partial(
        pl.kernel,
        out_type=jax.ShapeDtypeStruct((NC, NP, DF), jnp.float32),
        mesh=_mesh(),
        scratch_types=[
            pltpu.VMEM((NB, B), jnp.int32),
            pltpu.VMEM((B, DF), jnp.float32),
            pltpu.VMEM((ROWS_PT, DF), jnp.float32),
            pltpu.VMEM_SHARED((NP, DF), jnp.float32),
        ],
        compiler_params=pltpu.CompilerParams(use_tc_tiling_on_sc=False),
    )
    def _sc_degree(dstp_hbm, ones_hbm, z_hbm, out_hbm, dst_v, ones_v, ch_v, dacc):
        cid = lax.axis_index("c")
        sid = lax.axis_index("s")
        base = sid * ROWS_PT
        pltpu.sync_copy(z_hbm, ch_v)
        pltpu.sync_copy(ch_v, dacc.at[pl.ds(base, ROWS_PT)])
        pltpu.sync_copy(ones_hbm, ones_v)
        pltpu.sync_copy(dstp_hbm.at[cid, sid], dst_v)
        plsc.subcore_barrier()

        def body(j, carry):
            pltpu.sync_copy(ones_v, dacc.at[dst_v.at[j]], add=True)
            return carry

        lax.fori_loop(0, NB, body, 0)
        plsc.subcore_barrier()
        pltpu.sync_copy(dacc.at[pl.ds(base, ROWS_PT)], ch_v)
        pltpu.sync_copy(ch_v, out_hbm.at[cid, pl.ds(base, ROWS_PT)])

    return _sc_degree


@functools.cache
def _sc_scatter_kernel():
    @functools.partial(
        pl.kernel,
        out_type=jax.ShapeDtypeStruct((NC, NP, HF), jnp.float32),
        mesh=_mesh(),
        scratch_types=[
            pltpu.VMEM((NB2, B), jnp.int32),
            pltpu.VMEM((NB2, B), jnp.int32),
            pltpu.VMEM((B, HF), jnp.float32),
            pltpu.VMEM((B, HF), jnp.float32),
            pltpu.VMEM((CH, HF), jnp.float32),
            pltpu.VMEM_SHARED((NP, HF), jnp.float32),
            pltpu.SemaphoreType.DMA,
            pltpu.SemaphoreType.DMA,
        ],
        compiler_params=pltpu.CompilerParams(use_tc_tiling_on_sc=False),
    )
    def _sc_scatter(g_hbm, srcp_hbm, dstp_hbm, z_hbm, out_hbm,
                    src_v, dst_v, rows0_v, rows1_v, ch_v, acc, sem0, sem1):
        cid = lax.axis_index("c")
        sid = lax.axis_index("s")
        base = sid * ROWS_PT
        pltpu.sync_copy(z_hbm, ch_v)
        for k in range(ROWS_PT // CH):
            pltpu.sync_copy(ch_v, acc.at[pl.ds(base + k * CH, CH)])
        pltpu.sync_copy(srcp_hbm.at[cid, sid], src_v)
        pltpu.sync_copy(dstp_hbm.at[sid], dst_v)
        plsc.subcore_barrier()

        d0 = pltpu.async_copy(g_hbm.at[src_v.at[0]], rows0_v, sem0)

        def body(i, carry):
            j0 = 2 * i
            d1 = pltpu.async_copy(g_hbm.at[src_v.at[j0 + 1]], rows1_v, sem1)
            d0.wait()
            pltpu.sync_copy(rows0_v, acc.at[dst_v.at[j0]], add=True)
            pltpu.async_copy(g_hbm.at[src_v.at[j0 + 2]], rows0_v, sem0)
            d1.wait()
            pltpu.sync_copy(rows1_v, acc.at[dst_v.at[j0 + 1]], add=True)
            return carry

        lax.fori_loop(0, NB2 // 2, body, 0)
        d0.wait()
        pltpu.sync_copy(rows0_v, acc.at[dst_v.at[NB2 - 1]], add=True)
        plsc.subcore_barrier()
        for k in range(ROWS_PT // CH):
            pltpu.sync_copy(acc.at[pl.ds(base + k * CH, CH)], ch_v)
            pltpu.sync_copy(ch_v, out_hbm.at[cid, pl.ds(base + k * CH, CH)])

    return _sc_scatter


def _d_of(dp_ref):
    return lax.rsqrt(dp_ref[0, :, :1] + dp_ref[1, :, :1] + 1.0)


def _split_cols(v):
    return jnp.stack([v[:, :HF], v[:, HF:]], axis=0)


def _tc_layer0(x, W0, degp):
    def body(x_ref, w_ref, dp_ref, o_ref):
        d = _d_of(dp_ref)
        res = d * jnp.dot(x_ref[...], w_ref[...],
                          preferred_element_type=jnp.float32)
        o_ref[0] = res[:, :HF]
        o_ref[1] = res[:, HF:]

    return pl.pallas_call(
        body,
        grid=(N // BLK,),
        in_specs=[
            pl.BlockSpec((BLK, F), lambda i: (i, 0)),
            pl.BlockSpec((F, F), lambda i: (0, 0)),
            pl.BlockSpec((2, BLK, DF), lambda i: (0, i, 0)),
        ],
        out_specs=pl.BlockSpec((2, BLK, HF), lambda i: (0, i, 0)),
        out_shape=jax.ShapeDtypeStruct((2, N, HF), jnp.float32),
    )(x, W0, degp)


def _tc_layer1(p, g0, degp, b0, W1):
    def body(p_ref, g_ref, dp_ref, b_ref, w_ref, o_ref):
        d = _d_of(dp_ref)
        s = jnp.concatenate([p_ref[0] + g_ref[0], p_ref[1] + g_ref[1]],
                            axis=-1)
        h = jnp.maximum(d * s + b_ref[...], 0.0)
        res = d * jnp.dot(h, w_ref[...], preferred_element_type=jnp.float32)
        o_ref[0] = res[:, :HF]
        o_ref[1] = res[:, HF:]

    return pl.pallas_call(
        body,
        grid=(N // BLK,),
        in_specs=[
            pl.BlockSpec((2, BLK, HF), lambda i: (0, i, 0)),
            pl.BlockSpec((2, BLK, HF), lambda i: (0, i, 0)),
            pl.BlockSpec((2, BLK, DF), lambda i: (0, i, 0)),
            pl.BlockSpec((1, F), lambda i: (0, 0)),
            pl.BlockSpec((F, F), lambda i: (0, 0)),
        ],
        out_specs=pl.BlockSpec((2, BLK, HF), lambda i: (0, i, 0)),
        out_shape=jax.ShapeDtypeStruct((2, N, HF), jnp.float32),
    )(p, g0, degp, b0, W1)


def _tc_layer2(q, g1, degp, b1):
    def body(q_ref, g_ref, dp_ref, b_ref, o_ref):
        d = _d_of(dp_ref)
        s = jnp.concatenate([q_ref[0] + g_ref[0], q_ref[1] + g_ref[1]],
                            axis=-1)
        o_ref[...] = jax.nn.sigmoid(d * s + b_ref[...])

    return pl.pallas_call(
        body,
        grid=(N // BLK,),
        in_specs=[
            pl.BlockSpec((2, BLK, HF), lambda i: (0, i, 0)),
            pl.BlockSpec((2, BLK, HF), lambda i: (0, i, 0)),
            pl.BlockSpec((2, BLK, DF), lambda i: (0, i, 0)),
            pl.BlockSpec((1, F), lambda i: (0, 0)),
        ],
        out_specs=pl.BlockSpec((BLK, F), lambda i: (i, 0)),
        out_shape=jax.ShapeDtypeStruct((N, F), jnp.float32),
    )(q, g1, degp, b1)


def kernel(x, edge_index, W0, b0, W1, b1):
    src = edge_index[0]
    dst = edge_index[1]
    dpad = EPAD - EPT
    dstp_deg = jnp.pad(dst.reshape(T, EPT), ((0, 0), (0, dpad)),
                       constant_values=N).reshape(NC, NS, NB, B)
    spad = EPAD2 - EPT2
    src_t = jnp.pad(src.reshape(NS, EPT2),
                    ((0, 0), (0, spad))).reshape(NS, NB2, B)
    srcp = jnp.stack([src_t, src_t + N], axis=0)
    dstp = jnp.pad(dst.reshape(NS, EPT2), ((0, 0), (0, spad)),
                   constant_values=N).reshape(NS, NB2, B)
    ones = jnp.ones((B, DF), jnp.float32)
    zdeg = jnp.zeros((ROWS_PT, DF), jnp.float32)
    zrow = jnp.zeros((CH, HF), jnp.float32)

    degp = _sc_degree_kernel()(dstp_deg, ones, zdeg)
    g0 = _tc_layer0(x, W0, degp)
    p = _sc_scatter_kernel()(g0.reshape(NC * N, HF), srcp, dstp, zrow)
    g1 = _tc_layer1(p, g0, degp, b0.reshape(1, F), W1)
    q = _sc_scatter_kernel()(g1.reshape(NC * N, HF), srcp, dstp, zrow)
    return _tc_layer2(q, g1, degp, b1.reshape(1, F))

# --- scband reference (transcript-rebuilt; emitter-appended) ---
"""Pipeline reference for scband-i-vgae-decoder-57604101373964 (READ-ONLY COPY).

The authoritative reference and input builder live on the scoring server;
editing this copy changes nothing except your own understanding.
"""

import jax, jax.numpy as jnp
import numpy as np

N = 10000
E = 320000
IN = 128
HID = 128
OUT = 128


def setup_inputs(seed: int = 0) -> dict:
    key = jax.random.key(seed)
    k1, k2, k3, k4, k5, k6 = jax.random.split(key, 6)
    x = jax.random.normal(k1, (N, IN), dtype=jnp.float32)
    edge_index = jax.random.randint(k2, (2, E), 0, N, dtype=jnp.int32)
    W0 = jax.random.normal(k3, (IN, HID), dtype=jnp.float32) * (1.0 / np.sqrt(IN))
    b0 = jnp.zeros((HID,), dtype=jnp.float32)
    W1 = jax.random.normal(k4, (HID, OUT), dtype=jnp.float32) * (1.0 / np.sqrt(HID))
    b1 = jnp.zeros((OUT,), dtype=jnp.float32)
    return {"x": x, "edge_index": edge_index, "W0": W0, "b0": b0, "W1": W1, "b1": b1}


def _gcn_conv(x, edge_index, W, b):
    # Faithful PyG GCNConv: add self-loops, symmetric normalization, scatter-add aggregation.
    n = x.shape[0]
    loop = jnp.arange(n, dtype=edge_index.dtype)
    src = jnp.concatenate([edge_index[0], loop])
    dst = jnp.concatenate([edge_index[1], loop])
    h = x @ W  # linear transform first (in < out ordering irrelevant here)
    deg = jnp.zeros((n,), dtype=x.dtype).at[dst].add(1.0)
    deg_inv_sqrt = jnp.where(deg > 0, 1.0 / jnp.sqrt(deg), 0.0)
    norm = deg_inv_sqrt[src] * deg_inv_sqrt[dst]
    msg = h[src] * norm[:, None]
    out = jnp.zeros((n, h.shape[1]), dtype=x.dtype).at[dst].add(msg)
    return out + b


def reference(x, edge_index, W0, b0, W1, b1):
    h = jax.nn.relu(_gcn_conv(x, edge_index, W0, b0))
    out = _gcn_conv(h, edge_index, W1, b1)
    return jax.nn.sigmoid(out)

if __name__ == "__main__":
    import jax
    _d = setup_inputs()
    print(jax.jit(kernel)(*tuple(_d.values())))

</pallas_src>

<mosaic_0001>
#map = affine_map<(d0, d1) -> (0, 0, 0, 0)>
#map1 = affine_map<(d0, d1) -> (0, 0)>
#map2 = affine_map<(d0, d1) -> (0, 0, 0)>
module attributes {stable_mosaic.version = 14 : i64} {
  func.func @_sc_degree(%arg0: i32, %arg1: i32, %arg2: memref<2x16x79x128xi32, #tpu.memory_space<hbm>>, %arg3: memref<128x16xf32, #tpu.memory_space<hbm>>, %arg4: memref<640x16xf32, #tpu.memory_space<hbm>>, %arg5: memref<2x10240x16xf32, #tpu.memory_space<hbm>>, %arg6: memref<79x128xi32, #tpu.memory_space<vmem>>, %arg7: memref<128x16xf32, #tpu.memory_space<vmem>>, %arg8: memref<640x16xf32, #tpu.memory_space<vmem>>, %arg9: memref<10240x16xf32, #tpu.memory_space<vmem_shared>>) attributes {dimension_semantics = [#tpu.dimension_semantics<core_parallel>, #tpu.dimension_semantics<subcore_parallel>], iteration_bounds = array<i64: 2, 16>, scalar_prefetch = 0 : i64, scratch_operands = 4 : i64, tpu.core_type = #tpu.core_type<sc_vector_subcore>, window_params = [{transform_indices = #map}, {transform_indices = #map1}, {transform_indices = #map1}, {transform_indices = #map2}]} {
    %mul3A = arith.constant 640 : i32
    %mul3A_0 = arith.muli %arg1, %mul3A : i32
    "tpu.region"() ({
      %run_scoped3A = tpu.sem_alloc : memref<!tpu.dma_semaphore, #tpu.memory_space<semaphore_mem>>
      tpu.enqueue_dma source(%arg4 : memref<640x16xf32, #tpu.memory_space<hbm>>) target(%arg8 : memref<640x16xf32, #tpu.memory_space<vmem>>) target_semaphore(%run_scoped3A : memref<!tpu.dma_semaphore, #tpu.memory_space<semaphore_mem>>)
      tpu.wait_dma2 semaphore(%run_scoped3A : memref<!tpu.dma_semaphore, #tpu.memory_space<semaphore_mem>>) src(%arg4 : memref<640x16xf32, #tpu.memory_space<hbm>>) dst(%arg8 : memref<640x16xf32, #tpu.memory_space<vmem>>)
      tpu.yield
    }) : () -> ()
    "tpu.region"() ({
      %run_scoped3A = tpu.sem_alloc : memref<!tpu.dma_semaphore, #tpu.memory_space<semaphore_mem>>
      %dma_start3A = arith.constant 0 : i32
      %dma_start3A_7 = tpu.memref_slice %arg9[%mul3A_0, %dma_start3A] : memref<10240x16xf32, #tpu.memory_space<vmem_shared>> -> memref<640x16xf32, #tpu.memory_space<vmem_shared>>
      %dma_start3A_8 = arith.constant 0 : i32
      %dma_start3A_9 = tpu.memref_slice %arg9[%mul3A_0, %dma_start3A_8] : memref<10240x16xf32, #tpu.memory_space<vmem_shared>> -> memref<640x16xf32, #tpu.memory_space<vmem_shared>>
      tpu.enqueue_dma source(%arg8 : memref<640x16xf32, #tpu.memory_space<vmem>>) target(%dma_start3A_9 : memref<640x16xf32, #tpu.memory_space<vmem_shared>>) target_semaphore(%run_scoped3A : memref<!tpu.dma_semaphore, #tpu.memory_space<semaphore_mem>>)
      %dma_wait3A = arith.constant 0 : i32
      %dma_wait3A_10 = tpu.memref_slice %arg9[%mul3A_0, %dma_wait3A] : memref<10240x16xf32, #tpu.memory_space<vmem_shared>> -> memref<640x16xf32, #tpu.memory_space<vmem_shared>>
      %dma_wait3A_11 = arith.constant 0 : i32
      %dma_wait3A_12 = tpu.memref_slice %arg9[%mul3A_0, %dma_wait3A_11] : memref<10240x16xf32, #tpu.memory_space<vmem_shared>> -> memref<640x16xf32, #tpu.memory_space<vmem_shared>>
      tpu.wait_dma2 semaphore(%run_scoped3A : memref<!tpu.dma_semaphore, #tpu.memory_space<semaphore_mem>>) src(%arg8 : memref<640x16xf32, #tpu.memory_space<vmem>>) dst(%dma_wait3A_12 : memref<640x16xf32, #tpu.memory_space<vmem_shared>>)
      tpu.yield
    }) : () -> ()
    "tpu.region"() ({
      %run_scoped3A = tpu.sem_alloc : memref<!tpu.dma_semaphore, #tpu.memory_space<semaphore_mem>>
      tpu.enqueue_dma source(%arg3 : memref<128x16xf32, #tpu.memory_space<hbm>>) target(%arg7 : memref<128x16xf32, #tpu.memory_space<vmem>>) target_semaphore(%run_scoped3A : memref<!tpu.dma_semaphore, #tpu.memory_space<semaphore_mem>>)
      tpu.wait_dma2 semaphore(%run_scoped3A : memref<!tpu.dma_semaphore, #tpu.memory_space<semaphore_mem>>) src(%arg3 : memref<128x16xf32, #tpu.memory_space<hbm>>) dst(%arg7 : memref<128x16xf32, #tpu.memory_space<vmem>>)
      tpu.yield
    }) : () -> ()
    "tpu.region"() ({
      %run_scoped3A = tpu.sem_alloc : memref<!tpu.dma_semaphore, #tpu.memory_space<semaphore_mem>>
      %dma_start3A = arith.constant 0 : i32
      %dma_start3A_7 = arith.constant 0 : i32
      %dma_start3A_8 = tpu.memref_slice %arg2[%arg0, %arg1, %dma_start3A, %dma_start3A_7] : memref<2x16x79x128xi32, #tpu.memory_space<hbm>> -> memref<1x1x79x128xi32, #tpu.memory_space<hbm>>
      %dma_start3A_9 = tpu.memref_squeeze %dma_start3A_8 : memref<1x1x79x128xi32, #tpu.memory_space<hbm>> -> memref<79x128xi32, #tpu.memory_space<hbm>>
      %dma_start3A_10 = arith.constant 0 : i32
      %dma_start3A_11 = arith.constant 0 : i32
      %dma_start3A_12 = tpu.memref_slice %arg2[%arg0, %arg1, %dma_start3A_10, %dma_start3A_11] : memref<2x16x79x128xi32, #tpu.memory_space<hbm>> -> memref<1x1x79x128xi32, #tpu.memory_space<hbm>>
      %dma_start3A_13 = tpu.memref_squeeze %dma_start3A_12 : memref<1x1x79x128xi32, #tpu.memory_space<hbm>> -> memref<79x128xi32, #tpu.memory_space<hbm>>
      tpu.enqueue_dma source(%dma_start3A_13 : memref<79x128xi32, #tpu.memory_space<hbm>>) target(%arg6 : memref<79x128xi32, #tpu.memory_space<vmem>>) target_semaphore(%run_scoped3A : memref<!tpu.dma_semaphore, #tpu.memory_space<semaphore_mem>>)
      %dma_wait3A = arith.constant 0 : i32
      %dma_wait3A_14 = arith.constant 0 : i32
      %dma_wait3A_15 = tpu.memref_slice %arg2[%arg0, %arg1, %dma_wait3A, %dma_wait3A_14] : memref<2x16x79x128xi32, #tpu.memory_space<hbm>> -> memref<1x1x79x128xi32, #tpu.memory_space<hbm>>
      %dma_wait3A_16 = tpu.memref_squeeze %dma_wait3A_15 : memref<1x1x79x128xi32, #tpu.memory_space<hbm>> -> memref<79x128xi32, #tpu.memory_space<hbm>>
      %dma_wait3A_17 = arith.constant 0 : i32
      %dma_wait3A_18 = arith.constant 0 : i32
      %dma_wait3A_19 = tpu.memref_slice %arg2[%arg0, %arg1, %dma_wait3A_17, %dma_wait3A_18] : memref<2x16x79x128xi32, #tpu.memory_space<hbm>> -> memref<1x1x79x128xi32, #tpu.memory_space<hbm>>
      %dma_wait3A_20 = tpu.memref_squeeze %dma_wait3A_19 : memref<1x1x79x128xi32, #tpu.memory_space<hbm>> -> memref<79x128xi32, #tpu.memory_space<hbm>>
      tpu.wait_dma2 semaphore(%run_scoped3A : memref<!tpu.dma_semaphore, #tpu.memory_space<semaphore_mem>>) src(%dma_wait3A_20 : memref<79x128xi32, #tpu.memory_space<hbm>>) dst(%arg6 : memref<79x128xi32, #tpu.memory_space<vmem>>)
      tpu.yield
    }) : () -> ()
    %barrier3A = arith.constant 0 : index
    tpu.barrier barrier_id(%barrier3A)
    %scan3A = arith.constant 0 : i32
    %scan3A_1 = arith.constant 0 : i32
    %scan3A_2 = arith.constant 79 : i32
    %scan3A_3 = arith.addi %scan3A_1, %scan3A_2 : i32
    %scan3A_4 = arith.constant 1 : i32
    scf.for %scan3A_7 = %scan3A_1 to %scan3A_3 step %scan3A_4  : i32 {
      "tpu.region"() ({
        %run_scoped3A = tpu.sem_alloc : memref<!tpu.dma_semaphore, #tpu.memory_space<semaphore_mem>>
        %dma_start3A = arith.constant 0 : i32
        %dma_start3A_8 = tpu.memref_slice %arg6[%scan3A_7, %dma_start3A] : memref<79x128xi32, #tpu.memory_space<vmem>> -> memref<1x128xi32, #tpu.memory_space<vmem>>
        %dma_start3A_9 = tpu.memref_squeeze %dma_start3A_8 : memref<1x128xi32, #tpu.memory_space<vmem>> -> memref<128xi32, #tpu.memory_space<vmem>>
        %dma_start3A_10 = arith.constant 0 : i32
        %dma_start3A_11 = arith.constant 0 : i32
        %dma_start3A_12 = tpu.memref_slice %arg9[%dma_start3A_10, %dma_start3A_11] : memref<10240x16xf32, #tpu.memory_space<vmem_shared>> -> memref<10240x16xf32, #tpu.memory_space<vmem_shared>>
        tpu.enqueue_indirect_dma source(%arg7 : memref<128x16xf32, #tpu.memory_space<vmem>>) target(%dma_start3A_12 : memref<10240x16xf32, #tpu.memory_space<vmem_shared>>) offsets(%dma_start3A_9 : memref<128xi32, #tpu.memory_space<vmem>>) semaphore(%run_scoped3A : memref<!tpu.dma_semaphore, #tpu.memory_space<semaphore_mem>>) {add = true}
        %dma_wait3A = arith.constant 0 : i32
        %dma_wait3A_13 = tpu.memref_slice %arg6[%scan3A_7, %dma_wait3A] : memref<79x128xi32, #tpu.memory_space<vmem>> -> memref<1x128xi32, #tpu.memory_space<vmem>>
        %dma_wait3A_14 = tpu.memref_squeeze %dma_wait3A_13 : memref<1x128xi32, #tpu.memory_space<vmem>> -> memref<128xi32, #tpu.memory_space<vmem>>
        %dma_wait3A_15 = arith.constant 0 : i32
        %dma_wait3A_16 = arith.constant 0 : i32
        %dma_wait3A_17 = tpu.memref_slice %arg9[%dma_wait3A_15, %dma_wait3A_16] : memref<10240x16xf32, #tpu.memory_space<vmem_shared>> -> memref<10240x16xf32, #tpu.memory_space<vmem_shared>>
        tpu.wait_indirect_dma semaphore(%run_scoped3A : memref<!tpu.dma_semaphore, #tpu.memory_space<semaphore_mem>>) src(%arg7 : memref<128x16xf32, #tpu.memory_space<vmem>>) dst(%dma_wait3A_17 : memref<10240x16xf32, #tpu.memory_space<vmem_shared>>)
        tpu.yield
      }) : () -> ()
    }
    %scan3A_5 = arith.constant 79 : i32
    %barrier3A_6 = arith.constant 0 : index
    tpu.barrier barrier_id(%barrier3A_6)
    "tpu.region"() ({
      %run_scoped3A = tpu.sem_alloc : memref<!tpu.dma_semaphore, #tpu.memory_space<semaphore_mem>>
      %dma_start3A = arith.constant 0 : i32
      %dma_start3A_7 = tpu.memref_slice %arg9[%mul3A_0, %dma_start3A] : memref<10240x16xf32, #tpu.memory_space<vmem_shared>> -> memref<640x16xf32, #tpu.memory_space<vmem_shared>>
      %dma_start3A_8 = arith.constant 0 : i32
      %dma_start3A_9 = tpu.memref_slice %arg9[%mul3A_0, %dma_start3A_8] : memref<10240x16xf32, #tpu.memory_space<vmem_shared>> -> memref<640x16xf32, #tpu.memory_space<vmem_shared>>
      tpu.enqueue_dma source(%dma_start3A_9 : memref<640x16xf32, #tpu.memory_space<vmem_shared>>) target(%arg8 : memref<640x16xf32, #tpu.memory_space<vmem>>) target_semaphore(%run_scoped3A : memref<!tpu.dma_semaphore, #tpu.memory_space<semaphore_mem>>)
      %dma_wait3A = arith.constant 0 : i32
      %dma_wait3A_10 = tpu.memref_slice %arg9[%mul3A_0, %dma_wait3A] : memref<10240x16xf32, #tpu.memory_space<vmem_shared>> -> memref<640x16xf32, #tpu.memory_space<vmem_shared>>
      %dma_wait3A_11 = arith.constant 0 : i32
      %dma_wait3A_12 = tpu.memref_slice %arg9[%mul3A_0, %dma_wait3A_11] : memref<10240x16xf32, #tpu.memory_space<vmem_shared>> -> memref<640x16xf32, #tpu.memory_space<vmem_shared>>
      tpu.wait_dma2 semaphore(%run_scoped3A : memref<!tpu.dma_semaphore, #tpu.memory_space<semaphore_mem>>) src(%dma_wait3A_12 : memref<640x16xf32, #tpu.memory_space<vmem_shared>>) dst(%arg8 : memref<640x16xf32, #tpu.memory_space<vmem>>)
      tpu.yield
    }) : () -> ()
    "tpu.region"() ({
      %run_scoped3A = tpu.sem_alloc : memref<!tpu.dma_semaphore, #tpu.memory_space<semaphore_mem>>
      %dma_start3A = arith.constant 0 : i32
      %dma_start3A_7 = tpu.memref_slice %arg5[%arg0, %mul3A_0, %dma_start3A] : memref<2x10240x16xf32, #tpu.memory_space<hbm>> -> memref<1x640x16xf32, #tpu.memory_space<hbm>>
      %dma_start3A_8 = tpu.memref_squeeze %dma_start3A_7 : memref<1x640x16xf32, #tpu.memory_space<hbm>> -> memref<640x16xf32, #tpu.memory_space<hbm>>
      %dma_start3A_9 = arith.constant 0 : i32
      %dma_start3A_10 = tpu.memref_slice %arg5[%arg0, %mul3A_0, %dma_start3A_9] : memref<2x10240x16xf32, #tpu.memory_space<hbm>> -> memref<1x640x16xf32, #tpu.memory_space<hbm>>
      %dma_start3A_11 = tpu.memref_squeeze %dma_start3A_10 : memref<1x640x16xf32, #tpu.memory_space<hbm>> -> memref<640x16xf32, #tpu.memory_space<hbm>>
      tpu.enqueue_dma source(%arg8 : memref<640x16xf32, #tpu.memory_space<vmem>>) target(%dma_start3A_11 : memref<640x16xf32, #tpu.memory_space<hbm>>) target_semaphore(%run_scoped3A : memref<!tpu.dma_semaphore, #tpu.memory_space<semaphore_mem>>)
      %dma_wait3A = arith.constant 0 : i32
      %dma_wait3A_12 = tpu.memref_slice %arg5[%arg0, %mul3A_0, %dma_wait3A] : memref<2x10240x16xf32, #tpu.memory_space<hbm>> -> memref<1x640x16xf32, #tpu.memory_space<hbm>>
      %dma_wait3A_13 = tpu.memref_squeeze %dma_wait3A_12 : memref<1x640x16xf32, #tpu.memory_space<hbm>> -> memref<640x16xf32, #tpu.memory_space<hbm>>
      %dma_wait3A_14 = arith.constant 0 : i32
      %dma_wait3A_15 = tpu.memref_slice %arg5[%arg0, %mul3A_0, %dma_wait3A_14] : memref<2x10240x16xf32, #tpu.memory_space<hbm>> -> memref<1x640x16xf32, #tpu.memory_space<hbm>>
      %dma_wait3A_16 = tpu.memref_squeeze %dma_wait3A_15 : memref<1x640x16xf32, #tpu.memory_space<hbm>> -> memref<640x16xf32, #tpu.memory_space<hbm>>
      tpu.wait_dma2 semaphore(%run_scoped3A : memref<!tpu.dma_semaphore, #tpu.memory_space<semaphore_mem>>) src(%arg8 : memref<640x16xf32, #tpu.memory_space<vmem>>) dst(%dma_wait3A_16 : memref<640x16xf32, #tpu.memory_space<hbm>>)
      tpu.yield
    }) : () -> ()
    return
  }
}

#map = affine_map<(d0, d1) -> (0, 0)>
#map1 = affine_map<(d0, d1) -> (0, 0, 0, 0)>
#map2 = affine_map<(d0, d1) -> (0, 0, 0)>
module attributes {stable_mosaic.version = 14 : i64} {
  func.func @_sc_scatter(%arg0: i32, %arg1: i32, %arg2: memref<20000x64xf32, #tpu.memory_space<hbm>>, %arg3: memref<2x16x157x128xi32, #tpu.memory_space<hbm>>, %arg4: memref<16x157x128xi32, #tpu.memory_space<hbm>>, %arg5: memref<160x64xf32, #tpu.memory_space<hbm>>, %arg6: memref<2x10240x64xf32, #tpu.memory_space<hbm>>, %arg7: memref<157x128xi32, #tpu.memory_space<vmem>>, %arg8: memref<157x128xi32, #tpu.memory_space<vmem>>, %arg9: memref<128x64xf32, #tpu.memory_space<vmem>>, %arg10: memref<128x64xf32, #tpu.memory_space<vmem>>, %arg11: memref<160x64xf32, #tpu.memory_space<vmem>>, %arg12: memref<10240x64xf32, #tpu.memory_space<vmem_shared>>, %arg13: memref<!tpu.dma_semaphore, #tpu.memory_space<semaphore_mem>>, %arg14: memref<!tpu.dma_semaphore, #tpu.memory_space<semaphore_mem>>) attributes {dimension_semantics = [#tpu.dimension_semantics<core_parallel>, #tpu.dimension_semantics<subcore_parallel>], iteration_bounds = array<i64: 2, 16>, scalar_prefetch = 0 : i64, scratch_operands = 8 : i64, tpu.core_type = #tpu.core_type<sc_vector_subcore>, window_params = [{transform_indices = #map}, {transform_indices = #map1}, {transform_indices = #map2}, {transform_indices = #map}, {transform_indices = #map2}]} {
    %mul3A = arith.constant 640 : i32
    %mul3A_0 = arith.muli %arg1, %mul3A : i32
    "tpu.region"() ({
      %run_scoped3A_43 = tpu.sem_alloc : memref<!tpu.dma_semaphore, #tpu.memory_space<semaphore_mem>>
      tpu.enqueue_dma source(%arg5 : memref<160x64xf32, #tpu.memory_space<hbm>>) target(%arg11 : memref<160x64xf32, #tpu.memory_space<vmem>>) target_semaphore(%run_scoped3A_43 : memref<!tpu.dma_semaphore, #tpu.memory_space<semaphore_mem>>)
      tpu.wait_dma2 semaphore(%run_scoped3A_43 : memref<!tpu.dma_semaphore, #tpu.memory_space<semaphore_mem>>) src(%arg5 : memref<160x64xf32, #tpu.memory_space<hbm>>) dst(%arg11 : memref<160x64xf32, #tpu.memory_space<vmem>>)
      tpu.yield
    }) : () -> ()
    %add3A = arith.constant 0 : i32
    %add3A_1 = arith.addi %mul3A_0, %add3A : i32
    "tpu.region"() ({
      %run_scoped3A_43 = tpu.sem_alloc : memref<!tpu.dma_semaphore, #tpu.memory_space<semaphore_mem>>
      %dma_start3A_44 = arith.constant 0 : i32
      %dma_start3A_45 = tpu.memref_slice %arg12[%add3A_1, %dma_start3A_44] : memref<10240x64xf32, #tpu.memory_space<vmem_shared>> -> memref<160x64xf32, #tpu.memory_space<vmem_shared>>
      %dma_start3A_46 = arith.constant 0 : i32
      %dma_start3A_47 = tpu.memref_slice %arg12[%add3A_1, %dma_start3A_46] : memref<10240x64xf32, #tpu.memory_space<vmem_shared>> -> memref<160x64xf32, #tpu.memory_space<vmem_shared>>
      tpu.enqueue_dma source(%arg11 : memref<160x64xf32, #tpu.memory_space<vmem>>) target(%dma_start3A_47 : memref<160x64xf32, #tpu.memory_space<vmem_shared>>) target_semaphore(%run_scoped3A_43 : memref<!tpu.dma_semaphore, #tpu.memory_space<semaphore_mem>>)
      %dma_wait3A_48 = arith.constant 0 : i32
      %dma_wait3A_49 = tpu.memref_slice %arg12[%add3A_1, %dma_wait3A_48] : memref<10240x64xf32, #tpu.memory_space<vmem_shared>> -> memref<160x64xf32, #tpu.memory_space<vmem_shared>>
      %dma_wait3A_50 = arith.constant 0 : i32
      %dma_wait3A_51 = tpu.memref_slice %arg12[%add3A_1, %dma_wait3A_50] : memref<10240x64xf32, #tpu.memory_space<vmem_shared>> -> memref<160x64xf32, #tpu.memory_space<vmem_shared>>
      tpu.wait_dma2 semaphore(%run_scoped3A_43 : memref<!tpu.dma_semaphore, #tpu.memory_space<semaphore_mem>>) src(%arg11 : memref<160x64xf32, #tpu.memory_space<vmem>>) dst(%dma_wait3A_51 : memref<160x64xf32, #tpu.memory_space<vmem_shared>>)
      tpu.yield
    }) : () -> ()
    %add3A_2 = arith.constant 160 : i32
    %add3A_3 = arith.addi %mul3A_0, %add3A_2 : i32
    "tpu.region"() ({
      %run_scoped3A_43 = tpu.sem_alloc : memref<!tpu.dma_semaphore, #tpu.memory_space<semaphore_mem>>
      %dma_start3A_44 = arith.constant 0 : i32
      %dma_start3A_45 = tpu.memref_slice %arg12[%add3A_3, %dma_start3A_44] : memref<10240x64xf32, #tpu.memory_space<vmem_shared>> -> memref<160x64xf32, #tpu.memory_space<vmem_shared>>
      %dma_start3A_46 = arith.constant 0 : i32
      %dma_start3A_47 = tpu.memref_slice %arg12[%add3A_3, %dma_start3A_46] : memref<10240x64xf32, #tpu.memory_space<vmem_shared>> -> memref<160x64xf32, #tpu.memory_space<vmem_shared>>
      tpu.enqueue_dma source(%arg11 : memref<160x64xf32, #tpu.memory_space<vmem>>) target(%dma_start3A_47 : memref<160x64xf32, #tpu.memory_space<vmem_shared>>) target_semaphore(%run_scoped3A_43 : memref<!tpu.dma_semaphore, #tpu.memory_space<semaphore_mem>>)
      %dma_wait3A_48 = arith.constant 0 : i32
      %dma_wait3A_49 = tpu.memref_slice %arg12[%add3A_3, %dma_wait3A_48] : memref<10240x64xf32, #tpu.memory_space<vmem_shared>> -> memref<160x64xf32, #tpu.memory_space<vmem_shared>>
      %dma_wait3A_50 = arith.constant 0 : i32
      %dma_wait3A_51 = tpu.memref_slice %arg12[%add3A_3, %dma_wait3A_50] : memref<10240x64xf32, #tpu.memory_space<vmem_shared>> -> memref<160x64xf32, #tpu.memory_space<vmem_shared>>
      tpu.wait_dma2 semaphore(%run_scoped3A_43 : memref<!tpu.dma_semaphore, #tpu.memory_space<semaphore_mem>>) src(%arg11 : memref<160x64xf32, #tpu.memory_space<vmem>>) dst(%dma_wait3A_51 : memref<160x64xf32, #tpu.memory_space<vmem_shared>>)
      tpu.yield
    }) : () -> ()
    %add3A_4 = arith.constant 320 : i32
    %add3A_5 = arith.addi %mul3A_0, %add3A_4 : i32
    "tpu.region"() ({
      %run_scoped3A_43 = tpu.sem_alloc : memref<!tpu.dma_semaphore, #tpu.memory_space<semaphore_mem>>
      %dma_start3A_44 = arith.constant 0 : i32
      %dma_start3A_45 = tpu.memref_slice %arg12[%add3A_5, %dma_start3A_44] : memref<10240x64xf32, #tpu.memory_space<vmem_shared>> -> memref<160x64xf32, #tpu.memory_space<vmem_shared>>
      %dma_start3A_46 = arith.constant 0 : i32
      %dma_start3A_47 = tpu.memref_slice %arg12[%add3A_5, %dma_start3A_46] : memref<10240x64xf32, #tpu.memory_space<vmem_shared>> -> memref<160x64xf32, #tpu.memory_space<vmem_shared>>
      tpu.enqueue_dma source(%arg11 : memref<160x64xf32, #tpu.memory_space<vmem>>) target(%dma_start3A_47 : memref<160x64xf32, #tpu.memory_space<vmem_shared>>) target_semaphore(%run_scoped3A_43 : memref<!tpu.dma_semaphore, #tpu.memory_space<semaphore_mem>>)
      %dma_wait3A_48 = arith.constant 0 : i32
      %dma_wait3A_49 = tpu.memref_slice %arg12[%add3A_5, %dma_wait3A_48] : memref<10240x64xf32, #tpu.memory_space<vmem_shared>> -> memref<160x64xf32, #tpu.memory_space<vmem_shared>>
      %dma_wait3A_50 = arith.constant 0 : i32
      %dma_wait3A_51 = tpu.memref_slice %arg12[%add3A_5, %dma_wait3A_50] : memref<10240x64xf32, #tpu.memory_space<vmem_shared>> -> memref<160x64xf32, #tpu.memory_space<vmem_shared>>
      tpu.wait_dma2 semaphore(%run_scoped3A_43 : memref<!tpu.dma_semaphore, #tpu.memory_space<semaphore_mem>>) src(%arg11 : memref<160x64xf32, #tpu.memory_space<vmem>>) dst(%dma_wait3A_51 : memref<160x64xf32, #tpu.memory_space<vmem_shared>>)
      tpu.yield
    }) : () -> ()
    %add3A_6 = arith.constant 480 : i32
    %add3A_7 = arith.addi %mul3A_0, %add3A_6 : i32
    "tpu.region"() ({
      %run_scoped3A_43 = tpu.sem_alloc : memref<!tpu.dma_semaphore, #tpu.memory_space<semaphore_mem>>
      %dma_start3A_44 = arith.constant 0 : i32
      %dma_start3A_45 = tpu.memref_slice %arg12[%add3A_7, %dma_start3A_44] : memref<10240x64xf32, #tpu.memory_space<vmem_shared>> -> memref<160x64xf32, #tpu.memory_space<vmem_shared>>
      %dma_start3A_46 = arith.constant 0 : i32
      %dma_start3A_47 = tpu.memref_slice %arg12[%add3A_7, %dma_start3A_46] : memref<10240x64xf32, #tpu.memory_space<vmem_shared>> -> memref<160x64xf32, #tpu.memory_space<vmem_shared>>
      tpu.enqueue_dma source(%arg11 : memref<160x64xf32, #tpu.memory_space<vmem>>) target(%dma_start3A_47 : memref<160x64xf32, #tpu.memory_space<vmem_shared>>) target_semaphore(%run_scoped3A_43 : memref<!tpu.dma_semaphore, #tpu.memory_space<semaphore_mem>>)
      %dma_wait3A_48 = arith.constant 0 : i32
      %dma_wait3A_49 = tpu.memref_slice %arg12[%add3A_7, %dma_wait3A_48] : memref<10240x64xf32, #tpu.memory_space<vmem_shared>> -> memref<160x64xf32, #tpu.memory_space<vmem_shared>>
      %dma_wait3A_50 = arith.constant 0 : i32
      %dma_wait3A_51 = tpu.memref_slice %arg12[%add3A_7, %dma_wait3A_50] : memref<10240x64xf32, #tpu.memory_space<vmem_shared>> -> memref<160x64xf32, #tpu.memory_space<vmem_shared>>
      tpu.wait_dma2 semaphore(%run_scoped3A_43 : memref<!tpu.dma_semaphore, #tpu.memory_space<semaphore_mem>>) src(%arg11 : memref<160x64xf32, #tpu.memory_space<vmem>>) dst(%dma_wait3A_51 : memref<160x64xf32, #tpu.memory_space<vmem_shared>>)
      tpu.yield
    }) : () -> ()
    "tpu.region"() ({
      %run_scoped3A_43 = tpu.sem_alloc : memref<!tpu.dma_semaphore, #tpu.memory_space<semaphore_mem>>
      %dma_start3A_44 = arith.constant 0 : i32
      %dma_start3A_45 = arith.constant 0 : i32
      %dma_start3A_46 = tpu.memref_slice %arg3[%arg0, %arg1, %dma_start3A_44, %dma_start3A_45] : memref<2x16x157x128xi32, #tpu.memory_space<hbm>> -> memref<1x1x157x128xi32, #tpu.memory_space<hbm>>
      %dma_start3A_47 = tpu.memref_squeeze %dma_start3A_46 : memref<1x1x157x128xi32, #tpu.memory_space<hbm>> -> memref<157x128xi32, #tpu.memory_space<hbm>>
      %dma_start3A_48 = arith.constant 0 : i32
      %dma_start3A_49 = arith.constant 0 : i32
      %dma_start3A_50 = tpu.memref_slice %arg3[%arg0, %arg1, %dma_start3A_48, %dma_start3A_49] : memref<2x16x157x128xi32, #tpu.memory_space<hbm>> -> memref<1x1x157x128xi32, #tpu.memory_space<hbm>>
      %dma_start3A_51 = tpu.memref_squeeze %dma_start3A_50 : memref<1x1x157x128xi32, #tpu.memory_space<hbm>> -> memref<157x128xi32, #tpu.memory_space<hbm>>
      tpu.enqueue_dma source(%dma_start3A_51 : memref<157x128xi32, #tpu.memory_space<hbm>>) target(%arg7 : memref<157x128xi32, #tpu.memory_space<vmem>>) target_semaphore(%run_scoped3A_43 : memref<!tpu.dma_semaphore, #tpu.memory_space<semaphore_mem>>)
      %dma_wait3A_52 = arith.constant 0 : i32
      %dma_wait3A_53 = arith.constant 0 : i32
      %dma_wait3A_54 = tpu.memref_slice %arg3[%arg0, %arg1, %dma_wait3A_52, %dma_wait3A_53] : memref<2x16x157x128xi32, #tpu.memory_space<hbm>> -> memref<1x1x157x128xi32, #tpu.memory_space<hbm>>
      %dma_wait3A_55 = tpu.memref_squeeze %dma_wait3A_54 : memref<1x1x157x128xi32, #tpu.memory_space<hbm>> -> memref<157x128xi32, #tpu.memory_space<hbm>>
      %dma_wait3A_56 = arith.constant 0 : i32
      %dma_wait3A_57 = arith.constant 0 : i32
      %dma_wait3A_58 = tpu.memref_slice %arg3[%arg0, %arg1, %dma_wait3A_56, %dma_wait3A_57] : memref<2x16x157x128xi32, #tpu.memory_space<hbm>> -> memref<1x1x157x128xi32, #tpu.memory_space<hbm>>
      %dma_wait3A_59 = tpu.memref_squeeze %dma_wait3A_58 : memref<1x1x157x128xi32, #tpu.memory_space<hbm>> -> memref<157x128xi32, #tpu.memory_space<hbm>>
      tpu.wait_dma2 semaphore(%run_scoped3A_43 : memref<!tpu.dma_semaphore, #tpu.memory_space<semaphore_mem>>) src(%dma_wait3A_59 : memref<157x128xi32, #tpu.memory_space<hbm>>) dst(%arg7 : memref<157x128xi32, #tpu.memory_space<vmem>>)
      tpu.yield
    }) : () -> ()
    "tpu.region"() ({
      %run_scoped3A_43 = tpu.sem_alloc : memref<!tpu.dma_semaphore, #tpu.memory_space<semaphore_mem>>
      %dma_start3A_44 = arith.constant 0 : i32
      %dma_start3A_45 = arith.constant 0 : i32
      %dma_start3A_46 = tpu.memref_slice %arg4[%arg1, %dma_start3A_44, %dma_start3A_45] : memref<16x157x128xi32, #tpu.memory_space<hbm>> -> memref<1x157x128xi32, #tpu.memory_space<hbm>>
      %dma_start3A_47 = tpu.memref_squeeze %dma_start3A_46 : memref<1x157x128xi32, #tpu.memory_space<hbm>> -> memref<157x128xi32, #tpu.memory_space<hbm>>
      %dma_start3A_48 = arith.constant 0 : i32
      %dma_start3A_49 = arith.constant 0 : i32
      %dma_start3A_50 = tpu.memref_slice %arg4[%arg1, %dma_start3A_48, %dma_start3A_49] : memref<16x157x128xi32, #tpu.memory_space<hbm>> -> memref<1x157x128xi32, #tpu.memory_space<hbm>>
      %dma_start3A_51 = tpu.memref_squeeze %dma_start3A_50 : memref<1x157x128xi32, #tpu.memory_space<hbm>> -> memref<157x128xi32, #tpu.memory_space<hbm>>
      tpu.enqueue_dma source(%dma_start3A_51 : memref<157x128xi32, #tpu.memory_space<hbm>>) target(%arg8 : memref<157x128xi32, #tpu.memory_space<vmem>>) target_semaphore(%run_scoped3A_43 : memref<!tpu.dma_semaphore, #tpu.memory_space<semaphore_mem>>)
      %dma_wait3A_52 = arith.constant 0 : i32
      %dma_wait3A_53 = arith.constant 0 : i32
      %dma_wait3A_54 = tpu.memref_slice %arg4[%arg1, %dma_wait3A_52, %dma_wait3A_53] : memref<16x157x128xi32, #tpu.memory_space<hbm>> -> memref<1x157x128xi32, #tpu.memory_space<hbm>>
      %dma_wait3A_55 = tpu.memref_squeeze %dma_wait3A_54 : memref<1x157x128xi32, #tpu.memory_space<hbm>> -> memref<157x128xi32, #tpu.memory_space<hbm>>
      %dma_wait3A_56 = arith.constant 0 : i32
      %dma_wait3A_57 = arith.constant 0 : i32
      %dma_wait3A_58 = tpu.memref_slice %arg4[%arg1, %dma_wait3A_56, %dma_wait3A_57] : memref<16x157x128xi32, #tpu.memory_space<hbm>> -> memref<1x157x128xi32, #tpu.memory_space<hbm>>
      %dma_wait3A_59 = tpu.memref_squeeze %dma_wait3A_58 : memref<1x157x128xi32, #tpu.memory_space<hbm>> -> memref<157x128xi32, #tpu.memory_space<hbm>>
      tpu.wait_dma2 semaphore(%run_scoped3A_43 : memref<!tpu.dma_semaphore, #tpu.memory_space<semaphore_mem>>) src(%dma_wait3A_59 : memref<157x128xi32, #tpu.memory_space<hbm>>) dst(%arg8 : memref<157x128xi32, #tpu.memory_space<vmem>>)
      tpu.yield
    }) : () -> ()
    %barrier3A = arith.constant 0 : index
    tpu.barrier barrier_id(%barrier3A)
    %dma_start3A = arith.constant 0 : i32
    %dma_start3A_8 = arith.constant 0 : i32
    %dma_start3A_9 = tpu.memref_slice %arg7[%dma_start3A, %dma_start3A_8] : memref<157x128xi32, #tpu.memory_space<vmem>> -> memref<1x128xi32, #tpu.memory_space<vmem>>
    %dma_start3A_10 = tpu.memref_squeeze %dma_start3A_9 : memref<1x128xi32, #tpu.memory_space<vmem>> -> memref<128xi32, #tpu.memory_space<vmem>>
    %dma_start3A_11 = arith.constant 0 : i32
    %dma_start3A_12 = arith.constant 0 : i32
    %dma_start3A_13 = tpu.memref_slice %arg2[%dma_start3A_11, %dma_start3A_12] : memref<20000x64xf32, #tpu.memory_space<hbm>> -> memref<20000x64xf32, #tpu.memory_space<hbm>>
    tpu.enqueue_indirect_dma source(%dma_start3A_13 : memref<20000x64xf32, #tpu.memory_space<hbm>>) target(%arg9 : memref<128x64xf32, #tpu.memory_space<vmem>>) offsets(%dma_start3A_10 : memref<128xi32, #tpu.memory_space<vmem>>) semaphore(%arg13 : memref<!tpu.dma_semaphore, #tpu.memory_space<semaphore_mem>>)
    %scan3A = arith.constant 0 : i32
    %scan3A_14 = arith.constant 0 : i32
    %scan3A_15 = arith.constant 0 : i32
    %scan3A_16 = arith.constant 78 : i32
    %scan3A_17 = arith.addi %scan3A_15, %scan3A_16 : i32
    %scan3A_18 = arith.constant 1 : i32
    scf.for %scan3A_43 = %scan3A_15 to %scan3A_17 step %scan3A_18  : i32 {
      %mul3A_44 = arith.constant 2 : i32
      %mul3A_45 = arith.muli %mul3A_44, %scan3A_43 : i32
      %add3A_46 = arith.constant 1 : i32
      %add3A_47 = arith.addi %mul3A_45, %add3A_46 : i32
      %dma_start3A_48 = arith.constant 0 : i32
      %dma_start3A_49 = tpu.memref_slice %arg7[%add3A_47, %dma_start3A_48] : memref<157x128xi32, #tpu.memory_space<vmem>> -> memref<1x128xi32, #tpu.memory_space<vmem>>
      %dma_start3A_50 = tpu.memref_squeeze %dma_start3A_49 : memref<1x128xi32, #tpu.memory_space<vmem>> -> memref<128xi32, #tpu.memory_space<vmem>>
      %dma_start3A_51 = arith.constant 0 : i32
      %dma_start3A_52 = arith.constant 0 : i32
      %dma_start3A_53 = tpu.memref_slice %arg2[%dma_start3A_51, %dma_start3A_52] : memref<20000x64xf32, #tpu.memory_space<hbm>> -> memref<20000x64xf32, #tpu.memory_space<hbm>>
      tpu.enqueue_indirect_dma source(%dma_start3A_53 : memref<20000x64xf32, #tpu.memory_space<hbm>>) target(%arg10 : memref<128x64xf32, #tpu.memory_space<vmem>>) offsets(%dma_start3A_50 : memref<128xi32, #tpu.memory_space<vmem>>) semaphore(%arg14 : memref<!tpu.dma_semaphore, #tpu.memory_space<semaphore_mem>>)
      %dma_wait3A_54 = arith.constant 0 : i32
      %dma_wait3A_55 = tpu.memref_slice %arg7[%scan3A_14, %dma_wait3A_54] : memref<157x128xi32, #tpu.memory_space<vmem>> -> memref<1x128xi32, #tpu.memory_space<vmem>>
      %dma_wait3A_56 = tpu.memref_squeeze %dma_wait3A_55 : memref<1x128xi32, #tpu.memory_space<vmem>> -> memref<128xi32, #tpu.memory_space<vmem>>
      %dma_wait3A_57 = arith.constant 0 : i32
      %dma_wait3A_58 = arith.constant 0 : i32
      %dma_wait3A_59 = tpu.memref_slice %arg2[%dma_wait3A_57, %dma_wait3A_58] : memref<20000x64xf32, #tpu.memory_space<hbm>> -> memref<20000x64xf32, #tpu.memory_space<hbm>>
      tpu.wait_indirect_dma semaphore(%arg13 : memref<!tpu.dma_semaphore, #tpu.memory_space<semaphore_mem>>) src(%dma_wait3A_59 : memref<20000x64xf32, #tpu.memory_space<hbm>>) dst(%arg9 : memref<128x64xf32, #tpu.memory_space<vmem>>)
      "tpu.region"() ({
        %run_scoped3A_76 = tpu.sem_alloc : memref<!tpu.dma_semaphore, #tpu.memory_space<semaphore_mem>>
        %dma_start3A_77 = arith.constant 0 : i32
        %dma_start3A_78 = tpu.memref_slice %arg8[%mul3A_45, %dma_start3A_77] : memref<157x128xi32, #tpu.memory_space<vmem>> -> memref<1x128xi32, #tpu.memory_space<vmem>>
        %dma_start3A_79 = tpu.memref_squeeze %dma_start3A_78 : memref<1x128xi32, #tpu.memory_space<vmem>> -> memref<128xi32, #tpu.memory_space<vmem>>
        %dma_start3A_80 = arith.constant 0 : i32
        %dma_start3A_81 = arith.constant 0 : i32
        %dma_start3A_82 = tpu.memref_slice %arg12[%dma_start3A_80, %dma_start3A_81] : memref<10240x64xf32, #tpu.memory_space<vmem_shared>> -> memref<10240x64xf32, #tpu.memory_space<vmem_shared>>
        tpu.enqueue_indirect_dma source(%arg9 : memref<128x64xf32, #tpu.memory_space<vmem>>) target(%dma_start3A_82 : memref<10240x64xf32, #tpu.memory_space<vmem_shared>>) offsets(%dma_start3A_79 : memref<128xi32, #tpu.memory_space<vmem>>) semaphore(%run_scoped3A_76 : memref<!tpu.dma_semaphore, #tpu.memory_space<semaphore_mem>>) {add = true}
        %dma_wait3A_83 = arith.constant 0 : i32
        %dma_wait3A_84 = tpu.memref_slice %arg8[%mul3A_45, %dma_wait3A_83] : memref<157x128xi32, #tpu.memory_space<vmem>> -> memref<1x128xi32, #tpu.memory_space<vmem>>
        %dma_wait3A_85 = tpu.memref_squeeze %dma_wait3A_84 : memref<1x128xi32, #tpu.memory_space<vmem>> -> memref<128xi32, #tpu.memory_space<vmem>>
        %dma_wait3A_86 = arith.constant 0 : i32
        %dma_wait3A_87 = arith.constant 0 : i32
        %dma_wait3A_88 = tpu.memref_slice %arg12[%dma_wait3A_86, %dma_wait3A_87] : memref<10240x64xf32, #tpu.memory_space<vmem_shared>> -> memref<10240x64xf32, #tpu.memory_space<vmem_shared>>
        tpu.wait_indirect_dma semaphore(%run_scoped3A_76 : memref<!tpu.dma_semaphore, #tpu.memory_space<semaphore_mem>>) src(%arg9 : memref<128x64xf32, #tpu.memory_space<vmem>>) dst(%dma_wait3A_88 : memref<10240x64xf32, #tpu.memory_space<vmem_shared>>)
        tpu.yield
      }) : () -> ()
      %add3A_60 = arith.constant 2 : i32
      %add3A_61 = arith.addi %mul3A_45, %add3A_60 : i32
      %dma_start3A_62 = arith.constant 0 : i32
      %dma_start3A_63 = tpu.memref_slice %arg7[%add3A_61, %dma_start3A_62] : memref<157x128xi32, #tpu.memory_space<vmem>> -> memref<1x128xi32, #tpu.memory_space<vmem>>
      %dma_start3A_64 = tpu.memref_squeeze %dma_start3A_63 : memref<1x128xi32, #tpu.memory_space<vmem>> -> memref<128xi32, #tpu.memory_space<vmem>>
      %dma_start3A_65 = arith.constant 0 : i32
      %dma_start3A_66 = arith.constant 0 : i32
      %dma_start3A_67 = tpu.memref_slice %arg2[%dma_start3A_65, %dma_start3A_66] : memref<20000x64xf32, #tpu.memory_space<hbm>> -> memref<20000x64xf32, #tpu.memory_space<hbm>>
      tpu.enqueue_indirect_dma source(%dma_start3A_67 : memref<20000x64xf32, #tpu.memory_space<hbm>>) target(%arg9 : memref<128x64xf32, #tpu.memory_space<vmem>>) offsets(%dma_start3A_64 : memref<128xi32, #tpu.memory_space<vmem>>) semaphore(%arg13 : memref<!tpu.dma_semaphore, #tpu.memory_space<semaphore_mem>>)
      %dma_wait3A_68 = arith.constant 0 : i32
      %dma_wait3A_69 = tpu.memref_slice %arg7[%add3A_47, %dma_wait3A_68] : memref<157x128xi32, #tpu.memory_space<vmem>> -> memref<1x128xi32, #tpu.memory_space<vmem>>
      %dma_wait3A_70 = tpu.memref_squeeze %dma_wait3A_69 : memref<1x128xi32, #tpu.memory_space<vmem>> -> memref<128xi32, #tpu.memory_space<vmem>>
      %dma_wait3A_71 = arith.constant 0 : i32
      %dma_wait3A_72 = arith.constant 0 : i32
      %dma_wait3A_73 = tpu.memref_slice %arg2[%dma_wait3A_71, %dma_wait3A_72] : memref<20000x64xf32, #tpu.memory_space<hbm>> -> memref<20000x64xf32, #tpu.memory_space<hbm>>
      tpu.wait_indirect_dma semaphore(%arg14 : memref<!tpu.dma_semaphore, #tpu.memory_space<semaphore_mem>>) src(%dma_wait3A_73 : memref<20000x64xf32, #tpu.memory_space<hbm>>) dst(%arg10 : memref<128x64xf32, #tpu.memory_space<vmem>>)
      %add3A_74 = arith.constant 1 : i32
      %add3A_75 = arith.addi %mul3A_45, %add3A_74 : i32
      "tpu.region"() ({
        %run_scoped3A_76 = tpu.sem_alloc : memref<!tpu.dma_semaphore, #tpu.memory_space<semaphore_mem>>
        %dma_start3A_77 = arith.constant 0 : i32
        %dma_start3A_78 = tpu.memref_slice %arg8[%add3A_75, %dma_start3A_77] : memref<157x128xi32, #tpu.memory_space<vmem>> -> memref<1x128xi32, #tpu.memory_space<vmem>>
        %dma_start3A_79 = tpu.memref_squeeze %dma_start3A_78 : memref<1x128xi32, #tpu.memory_space<vmem>> -> memref<128xi32, #tpu.memory_space<vmem>>
        %dma_start3A_80 = arith.constant 0 : i32
        %dma_start3A_81 = arith.constant 0 : i32
        %dma_start3A_82 = tpu.memref_slice %arg12[%dma_start3A_80, %dma_start3A_81] : memref<10240x64xf32, #tpu.memory_space<vmem_shared>> -> memref<10240x64xf32, #tpu.memory_space<vmem_shared>>
        tpu.enqueue_indirect_dma source(%arg10 : memref<128x64xf32, #tpu.memory_space<vmem>>) target(%dma_start3A_82 : memref<10240x64xf32, #tpu.memory_space<vmem_shared>>) offsets(%dma_start3A_79 : memref<128xi32, #tpu.memory_space<vmem>>) semaphore(%run_scoped3A_76 : memref<!tpu.dma_semaphore, #tpu.memory_space<semaphore_mem>>) {add = true}
        %dma_wait3A_83 = arith.constant 0 : i32
        %dma_wait3A_84 = tpu.memref_slice %arg8[%add3A_75, %dma_wait3A_83] : memref<157x128xi32, #tpu.memory_space<vmem>> -> memref<1x128xi32, #tpu.memory_space<vmem>>
        %dma_wait3A_85 = tpu.memref_squeeze %dma_wait3A_84 : memref<1x128xi32, #tpu.memory_space<vmem>> -> memref<128xi32, #tpu.memory_space<vmem>>
        %dma_wait3A_86 = arith.constant 0 : i32
        %dma_wait3A_87 = arith.constant 0 : i32
        %dma_wait3A_88 = tpu.memref_slice %arg12[%dma_wait3A_86, %dma_wait3A_87] : memref<10240x64xf32, #tpu.memory_space<vmem_shared>> -> memref<10240x64xf32, #tpu.memory_space<vmem_shared>>
        tpu.wait_indirect_dma semaphore(%run_scoped3A_76 : memref<!tpu.dma_semaphore, #tpu.memory_space<semaphore_mem>>) src(%arg10 : memref<128x64xf32, #tpu.memory_space<vmem>>) dst(%dma_wait3A_88 : memref<10240x64xf32, #tpu.memory_space<vmem_shared>>)
        tpu.yield
      }) : () -> ()
    }
    %scan3A_19 = arith.constant 78 : i32
    %dma_wait3A = arith.constant 0 : i32
    %dma_wait3A_20 = arith.constant 0 : i32
    %dma_wait3A_21 = tpu.memref_slice %arg7[%dma_wait3A, %dma_wait3A_20] : memref<157x128xi32, #tpu.memory_space<vmem>> -> memref<1x128xi32, #tpu.memory_space<vmem>>
    %dma_wait3A_22 = tpu.memref_squeeze %dma_wait3A_21 : memref<1x128xi32, #tpu.memory_space<vmem>> -> memref<128xi32, #tpu.memory_space<vmem>>
    %dma_wait3A_23 = arith.constant 0 : i32
    %dma_wait3A_24 = arith.constant 0 : i32
    %dma_wait3A_25 = tpu.memref_slice %arg2[%dma_wait3A_23, %dma_wait3A_24] : memref<20000x64xf32, #tpu.memory_space<hbm>> -> memref<20000x64xf32, #tpu.memory_space<hbm>>
    tpu.wait_indirect_dma semaphore(%arg13 : memref<!tpu.dma_semaphore, #tpu.memory_space<semaphore_mem>>) src(%dma_wait3A_25 : memref<20000x64xf32, #tpu.memory_space<hbm>>) dst(%arg9 : memref<128x64xf32, #tpu.memory_space<vmem>>)
    %run_scoped3A = arith.constant 156 : i32
    "tpu.region"() ({
      %run_scoped3A_43 = tpu.sem_alloc : memref<!tpu.dma_semaphore, #tpu.memory_space<semaphore_mem>>
      %dma_start3A_44 = arith.constant 0 : i32
      %dma_start3A_45 = tpu.memref_slice %arg8[%run_scoped3A, %dma_start3A_44] : memref<157x128xi32, #tpu.memory_space<vmem>> -> memref<1x128xi32, #tpu.memory_space<vmem>>
      %dma_start3A_46 = tpu.memref_squeeze %dma_start3A_45 : memref<1x128xi32, #tpu.memory_space<vmem>> -> memref<128xi32, #tpu.memory_space<vmem>>
      %dma_start3A_47 = arith.constant 0 : i32
      %dma_start3A_48 = arith.constant 0 : i32
      %dma_start3A_49 = tpu.memref_slice %arg12[%dma_start3A_47, %dma_start3A_48] : memref<10240x64xf32, #tpu.memory_space<vmem_shared>> -> memref<10240x64xf32, #tpu.memory_space<vmem_shared>>
      tpu.enqueue_indirect_dma source(%arg9 : memref<128x64xf32, #tpu.memory_space<vmem>>) target(%dma_start3A_49 : memref<10240x64xf32, #tpu.memory_space<vmem_shared>>) offsets(%dma_start3A_46 : memref<128xi32, #tpu.memory_space<vmem>>) semaphore(%run_scoped3A_43 : memref<!tpu.dma_semaphore, #tpu.memory_space<semaphore_mem>>) {add = true}
      %dma_wait3A_50 = arith.constant 0 : i32
      %dma_wait3A_51 = tpu.memref_slice %arg8[%run_scoped3A, %dma_wait3A_50] : memref<157x128xi32, #tpu.memory_space<vmem>> -> memref<1x128xi32, #tpu.memory_space<vmem>>
      %dma_wait3A_52 = tpu.memref_squeeze %dma_wait3A_51 : memref<1x128xi32, #tpu.memory_space<vmem>> -> memref<128xi32, #tpu.memory_space<vmem>>
      %dma_wait3A_53 = arith.constant 0 : i32
      %dma_wait3A_54 = arith.constant 0 : i32
      %dma_wait3A_55 = tpu.memref_slice %arg12[%dma_wait3A_53, %dma_wait3A_54] : memref<10240x64xf32, #tpu.memory_space<vmem_shared>> -> memref<10240x64xf32, #tpu.memory_space<vmem_shared>>
      tpu.wait_indirect_dma semaphore(%run_scoped3A_43 : memref<!tpu.dma_semaphore, #tpu.memory_space<semaphore_mem>>) src(%arg9 : memref<128x64xf32, #tpu.memory_space<vmem>>) dst(%dma_wait3A_55 : memref<10240x64xf32, #tpu.memory_space<vmem_shared>>)
      tpu.yield
    }) : () -> ()
    %barrier3A_26 = arith.constant 0 : index
    tpu.barrier barrier_id(%barrier3A_26)
    %add3A_27 = arith.constant 0 : i32
    %add3A_28 = arith.addi %mul3A_0, %add3A_27 : i32
    "tpu.region"() ({
      %run_scoped3A_43 = tpu.sem_alloc : memref<!tpu.dma_semaphore, #tpu.memory_space<semaphore_mem>>
      %dma_start3A_44 = arith.constant 0 : i32
      %dma_start3A_45 = tpu.memref_slice %arg12[%add3A_28, %dma_start3A_44] : memref<10240x64xf32, #tpu.memory_space<vmem_shared>> -> memref<160x64xf32, #tpu.memory_space<vmem_shared>>
      %dma_start3A_46 = arith.constant 0 : i32
      %dma_start3A_47 = tpu.memref_slice %arg12[%add3A_28, %dma_start3A_46] : memref<10240x64xf32, #tpu.memory_space<vmem_shared>> -> memref<160x64xf32, #tpu.memory_space<vmem_shared>>
      tpu.enqueue_dma source(%dma_start3A_47 : memref<160x64xf32, #tpu.memory_space<vmem_shared>>) target(%arg11 : memref<160x64xf32, #tpu.memory_space<vmem>>) target_semaphore(%run_scoped3A_43 : memref<!tpu.dma_semaphore, #tpu.memory_space<semaphore_mem>>)
      %dma_wait3A_48 = arith.constant 0 : i32
      %dma_wait3A_49 = tpu.memref_slice %arg12[%add3A_28, %dma_wait3A_48] : memref<10240x64xf32, #tpu.memory_space<vmem_shared>> -> memref<160x64xf32, #tpu.memory_space<vmem_shared>>
      %dma_wait3A_50 = arith.constant 0 : i32
      %dma_wait3A_51 = tpu.memref_slice %arg12[%add3A_28, %dma_wait3A_50] : memref<10240x64xf32, #tpu.memory_space<vmem_shared>> -> memref<160x64xf32, #tpu.memory_space<vmem_shared>>
      tpu.wait_dma2 semaphore(%run_scoped3A_43 : memref<!tpu.dma_semaphore, #tpu.memory_space<semaphore_mem>>) src(%dma_wait3A_51 : memref<160x64xf32, #tpu.memory_space<vmem_shared>>) dst(%arg11 : memref<160x64xf32, #tpu.memory_space<vmem>>)
      tpu.yield
    }) : () -> ()
    %add3A_29 = arith.constant 0 : i32
    %add3A_30 = arith.addi %mul3A_0, %add3A_29 : i32
    "tpu.region"() ({
      %run_scoped3A_43 = tpu.sem_alloc : memref<!tpu.dma_semaphore, #tpu.memory_space<semaphore_mem>>
      %dma_start3A_44 = arith.constant 0 : i32
      %dma_start3A_45 = tpu.memref_slice %arg6[%arg0, %add3A_30, %dma_start3A_44] : memref<2x10240x64xf32, #tpu.memory_space<hbm>> -> memref<1x160x64xf32, #tpu.memory_space<hbm>>
      %dma_start3A_46 = tpu.memref_squeeze %dma_start3A_45 : memref<1x160x64xf32, #tpu.memory_space<hbm>> -> memref<160x64xf32, #tpu.memory_space<hbm>>
      %dma_start3A_47 = arith.constant 0 : i32
      %dma_start3A_48 = tpu.memref_slice %arg6[%arg0, %add3A_30, %dma_start3A_47] : memref<2x10240x64xf32, #tpu.memory_space<hbm>> -> memref<1x160x64xf32, #tpu.memory_space<hbm>>
      %dma_start3A_49 = tpu.memref_squeeze %dma_start3A_48 : memref<1x160x64xf32, #tpu.memory_space<hbm>> -> memref<160x64xf32, #tpu.memory_space<hbm>>
      tpu.enqueue_dma source(%arg11 : memref<160x64xf32, #tpu.memory_space<vmem>>) target(%dma_start3A_49 : memref<160x64xf32, #tpu.memory_space<hbm>>) target_semaphore(%run_scoped3A_43 : memref<!tpu.dma_semaphore, #tpu.memory_space<semaphore_mem>>)
      %dma_wait3A_50 = arith.constant 0 : i32
      %dma_wait3A_51 = tpu.memref_slice %arg6[%arg0, %add3A_30, %dma_wait3A_50] : memref<2x10240x64xf32, #tpu.memory_space<hbm>> -> memref<1x160x64xf32, #tpu.memory_space<hbm>>
      %dma_wait3A_52 = tpu.memref_squeeze %dma_wait3A_51 : memref<1x160x64xf32, #tpu.memory_space<hbm>> -> memref<160x64xf32, #tpu.memory_space<hbm>>
      %dma_wait3A_53 = arith.constant 0 : i32
      %dma_wait3A_54 = tpu.memref_slice %arg6[%arg0, %add3A_30, %dma_wait3A_53] : memref<2x10240x64xf32, #tpu.memory_space<hbm>> -> memref<1x160x64xf32, #tpu.memory_space<hbm>>
      %dma_wait3A_55 = tpu.memref_squeeze %dma_wait3A_54 : memref<1x160x64xf32, #tpu.memory_space<hbm>> -> memref<160x64xf32, #tpu.memory_space<hbm>>
      tpu.wait_dma2 semaphore(%run_scoped3A_43 : memref<!tpu.dma_semaphore, #tpu.memory_space<semaphore_mem>>) src(%arg11 : memref<160x64xf32, #tpu.memory_space<vmem>>) dst(%dma_wait3A_55 : memref<160x64xf32, #tpu.memory_space<hbm>>)
      tpu.yield
    }) : () -> ()
    %add3A_31 = arith.constant 160 : i32
    %add3A_32 = arith.addi %mul3A_0, %add3A_31 : i32
    "tpu.region"() ({
      %run_scoped3A_43 = tpu.sem_alloc : memref<!tpu.dma_semaphore, #tpu.memory_space<semaphore_mem>>
      %dma_start3A_44 = arith.constant 0 : i32
      %dma_start3A_45 = tpu.memref_slice %arg12[%add3A_32, %dma_start3A_44] : memref<10240x64xf32, #tpu.memory_space<vmem_shared>> -> memref<160x64xf32, #tpu.memory_space<vmem_shared>>
      %dma_start3A_46 = arith.constant 0 : i32
      %dma_start3A_47 = tpu.memref_slice %arg12[%add3A_32, %dma_start3A_46] : memref<10240x64xf32, #tpu.memory_space<vmem_shared>> -> memref<160x64xf32, #tpu.memory_space<vmem_shared>>
      tpu.enqueue_dma source(%dma_start3A_47 : memref<160x64xf32, #tpu.memory_space<vmem_shared>>) target(%arg11 : memref<160x64xf32, #tpu.memory_space<vmem>>) target_semaphore(%run_scoped3A_43 : memref<!tpu.dma_semaphore, #tpu.memory_space<semaphore_mem>>)
      %dma_wait3A_48 = arith.constant 0 : i32
      %dma_wait3A_49 = tpu.memref_slice %arg12[%add3A_32, %dma_wait3A_48] : memref<10240x64xf32, #tpu.memory_space<vmem_shared>> -> memref<160x64xf32, #tpu.memory_space<vmem_shared>>
      %dma_wait3A_50 = arith.constant 0 : i32
      %dma_wait3A_51 = tpu.memref_slice %arg12[%add3A_32, %dma_wait3A_50] : memref<10240x64xf32, #tpu.memory_space<vmem_shared>> -> memref<160x64xf32, #tpu.memory_space<vmem_shared>>
      tpu.wait_dma2 semaphore(%run_scoped3A_43 : memref<!tpu.dma_semaphore, #tpu.memory_space<semaphore_mem>>) src(%dma_wait3A_51 : memref<160x64xf32, #tpu.memory_space<vmem_shared>>) dst(%arg11 : memref<160x64xf32, #tpu.memory_space<vmem>>)
      tpu.yield
    }) : () -> ()
    %add3A_33 = arith.constant 160 : i32
    %add3A_34 = arith.addi %mul3A_0, %add3A_33 : i32
    "tpu.region"() ({
      %run_scoped3A_43 = tpu.sem_alloc : memref<!tpu.dma_semaphore, #tpu.memory_space<semaphore_mem>>
      %dma_start3A_44 = arith.constant 0 : i32
      %dma_start3A_45 = tpu.memref_slice %arg6[%arg0, %add3A_34, %dma_start3A_44] : memref<2x10240x64xf32, #tpu.memory_space<hbm>> -> memref<1x160x64xf32, #tpu.memory_space<hbm>>
      %dma_start3A_46 = tpu.memref_squeeze %dma_start3A_45 : memref<1x160x64xf32, #tpu.memory_space<hbm>> -> memref<160x64xf32, #tpu.memory_space<hbm>>
      %dma_start3A_47 = arith.constant 0 : i32
      %dma_start3A_48 = tpu.memref_slice %arg6[%arg0, %add3A_34, %dma_start3A_47] : memref<2x10240x64xf32, #tpu.memory_space<hbm>> -> memref<1x160x64xf32, #tpu.memory_space<hbm>>
      %dma_start3A_49 = tpu.memref_squeeze %dma_start3A_48 : memref<1x160x64xf32, #tpu.memory_space<hbm>> -> memref<160x64xf32, #tpu.memory_space<hbm>>
      tpu.enqueue_dma source(%arg11 : memref<160x64xf32, #tpu.memory_space<vmem>>) target(%dma_start3A_49 : memref<160x64xf32, #tpu.memory_space<hbm>>) target_semaphore(%run_scoped3A_43 : memref<!tpu.dma_semaphore, #tpu.memory_space<semaphore_mem>>)
      %dma_wait3A_50 = arith.constant 0 : i32
      %dma_wait3A_51 = tpu.memref_slice %arg6[%arg0, %add3A_34, %dma_wait3A_50] : memref<2x10240x64xf32, #tpu.memory_space<hbm>> -> memref<1x160x64xf32, #tpu.memory_space<hbm>>
      %dma_wait3A_52 = tpu.memref_squeeze %dma_wait3A_51 : memref<1x160x64xf32, #tpu.memory_space<hbm>> -> memref<160x64xf32, #tpu.memory_space<hbm>>
      %dma_wait3A_53 = arith.constant 0 : i32
      %dma_wait3A_54 = tpu.memref_slice %arg6[%arg0, %add3A_34, %dma_wait3A_53] : memref<2x10240x64xf32, #tpu.memory_space<hbm>> -> memref<1x160x64xf32, #tpu.memory_space<hbm>>
      %dma_wait3A_55 = tpu.memref_squeeze %dma_wait3A_54 : memref<1x160x64xf32, #tpu.memory_space<hbm>> -> memref<160x64xf32, #tpu.memory_space<hbm>>
      tpu.wait_dma2 semaphore(%run_scoped3A_43 : memref<!tpu.dma_semaphore, #tpu.memory_space<semaphore_mem>>) src(%arg11 : memref<160x64xf32, #tpu.memory_space<vmem>>) dst(%dma_wait3A_55 : memref<160x64xf32, #tpu.memory_space<hbm>>)
      tpu.yield
    }) : () -> ()
    %add3A_35 = arith.constant 320 : i32
    %add3A_36 = arith.addi %mul3A_0, %add3A_35 : i32
    "tpu.region"() ({
      %run_scoped3A_43 = tpu.sem_alloc : memref<!tpu.dma_semaphore, #tpu.memory_space<semaphore_mem>>
      %dma_start3A_44 = arith.constant 0 : i32
      %dma_start3A_45 = tpu.memref_slice %arg12[%add3A_36, %dma_start3A_44] : memref<10240x64xf32, #tpu.memory_space<vmem_shared>> -> memref<160x64xf32, #tpu.memory_space<vmem_shared>>
      %dma_start3A_46 = arith.constant 0 : i32
      %dma_start3A_47 = tpu.memref_slice %arg12[%add3A_36, %dma_start3A_46] : memref<10240x64xf32, #tpu.memory_space<vmem_shared>> -> memref<160x64xf32, #tpu.memory_space<vmem_shared>>
      tpu.enqueue_dma source(%dma_start3A_47 : memref<160x64xf32, #tpu.memory_space<vmem_shared>>) target(%arg11 : memref<160x64xf32, #tpu.memory_space<vmem>>) target_semaphore(%run_scoped3A_43 : memref<!tpu.dma_semaphore, #tpu.memory_space<semaphore_mem>>)
      %dma_wait3A_48 = arith.constant 0 : i32
      %dma_wait3A_49 = tpu.memref_slice %arg12[%add3A_36, %dma_wait3A_48] : memref<10240x64xf32, #tpu.memory_space<vmem_shared>> -> memref<160x64xf32, #tpu.memory_space<vmem_shared>>
      %dma_wait3A_50 = arith.constant 0 : i32
      %dma_wait3A_51 = tpu.memref_slice %arg12[%add3A_36, %dma_wait3A_50] : memref<10240x64xf32, #tpu.memory_space<vmem_shared>> -> memref<160x64xf32, #tpu.memory_space<vmem_shared>>
      tpu.wait_dma2 semaphore(%run_scoped3A_43 : memref<!tpu.dma_semaphore, #tpu.memory_space<semaphore_mem>>) src(%dma_wait3A_51 : memref<160x64xf32, #tpu.memory_space<vmem_shared>>) dst(%arg11 : memref<160x64xf32, #tpu.memory_space<vmem>>)
      tpu.yield
    }) : () -> ()
    %add3A_37 = arith.constant 320 : i32
    %add3A_38 = arith.addi %mul3A_0, %add3A_37 : i32
    "tpu.region"() ({
      %run_scoped3A_43 = tpu.sem_alloc : memref<!tpu.dma_semaphore, #tpu.memory_space<semaphore_mem>>
      %dma_start3A_44 = arith.constant 0 : i32
      %dma_start3A_45 = tpu.memref_slice %arg6[%arg0, %add3A_38, %dma_start3A_44] : memref<2x10240x64xf32, #tpu.memory_space<hbm>> -> memref<1x160x64xf32, #tpu.memory_space<hbm>>
      %dma_start3A_46 = tpu.memref_squeeze %dma_start3A_45 : memref<1x160x64xf32, #tpu.memory_space<hbm>> -> memref<160x64xf32, #tpu.memory_space<hbm>>
      %dma_start3A_47 = arith.constant 0 : i32
      %dma_start3A_48 = tpu.memref_slice %arg6[%arg0, %add3A_38, %dma_start3A_47] : memref<2x10240x64xf32, #tpu.memory_space<hbm>> -> memref<1x160x64xf32, #tpu.memory_space<hbm>>
      %dma_start3A_49 = tpu.memref_squeeze %dma_start3A_48 : memref<1x160x64xf32, #tpu.memory_space<hbm>> -> memref<160x64xf32, #tpu.memory_space<hbm>>
      tpu.enqueue_dma source(%arg11 : memref<160x64xf32, #tpu.memory_space<vmem>>) target(%dma_start3A_49 : memref<160x64xf32, #tpu.memory_space<hbm>>) target_semaphore(%run_scoped3A_43 : memref<!tpu.dma_semaphore, #tpu.memory_space<semaphore_mem>>)
      %dma_wait3A_50 = arith.constant 0 : i32
      %dma_wait3A_51 = tpu.memref_slice %arg6[%arg0, %add3A_38, %dma_wait3A_50] : memref<2x10240x64xf32, #tpu.memory_space<hbm>> -> memref<1x160x64xf32, #tpu.memory_space<hbm>>
      %dma_wait3A_52 = tpu.memref_squeeze %dma_wait3A_51 : memref<1x160x64xf32, #tpu.memory_space<hbm>> -> memref<160x64xf32, #tpu.memory_space<hbm>>
      %dma_wait3A_53 = arith.constant 0 : i32
      %dma_wait3A_54 = tpu.memref_slice %arg6[%arg0, %add3A_38, %dma_wait3A_53] : memref<2x10240x64xf32, #tpu.memory_space<hbm>> -> memref<1x160x64xf32, #tpu.memory_space<hbm>>
      %dma_wait3A_55 = tpu.memref_squeeze %dma_wait3A_54 : memref<1x160x64xf32, #tpu.memory_space<hbm>> -> memref<160x64xf32, #tpu.memory_space<hbm>>
      tpu.wait_dma2 semaphore(%run_scoped3A_43 : memref<!tpu.dma_semaphore, #tpu.memory_space<semaphore_mem>>) src(%arg11 : memref<160x64xf32, #tpu.memory_space<vmem>>) dst(%dma_wait3A_55 : memref<160x64xf32, #tpu.memory_space<hbm>>)
      tpu.yield
    }) : () -> ()
    %add3A_39 = arith.constant 480 : i32
    %add3A_40 = arith.addi %mul3A_0, %add3A_39 : i32
    "tpu.region"() ({
      %run_scoped3A_43 = tpu.sem_alloc : memref<!tpu.dma_semaphore, #tpu.memory_space<semaphore_mem>>
      %dma_start3A_44 = arith.constant 0 : i32
      %dma_start3A_45 = tpu.memref_slice %arg12[%add3A_40, %dma_start3A_44] : memref<10240x64xf32, #tpu.memory_space<vmem_shared>> -> memref<160x64xf32, #tpu.memory_space<vmem_shared>>
      %dma_start3A_46 = arith.constant 0 : i32
      %dma_start3A_47 = tpu.memref_slice %arg12[%add3A_40, %dma_start3A_46] : memref<10240x64xf32, #tpu.memory_space<vmem_shared>> -> memref<160x64xf32, #tpu.memory_space<vmem_shared>>
      tpu.enqueue_dma source(%dma_start3A_47 : memref<160x64xf32, #tpu.memory_space<vmem_shared>>) target(%arg11 : memref<160x64xf32, #tpu.memory_space<vmem>>) target_semaphore(%run_scoped3A_43 : memref<!tpu.dma_semaphore, #tpu.memory_space<semaphore_mem>>)
      %dma_wait3A_48 = arith.constant 0 : i32
      %dma_wait3A_49 = tpu.memref_slice %arg12[%add3A_40, %dma_wait3A_48] : memref<10240x64xf32, #tpu.memory_space<vmem_shared>> -> memref<160x64xf32, #tpu.memory_space<vmem_shared>>
      %dma_wait3A_50 = arith.constant 0 : i32
      %dma_wait3A_51 = tpu.memref_slice %arg12[%add3A_40, %dma_wait3A_50] : memref<10240x64xf32, #tpu.memory_space<vmem_shared>> -> memref<160x64xf32, #tpu.memory_space<vmem_shared>>
      tpu.wait_dma2 semaphore(%run_scoped3A_43 : memref<!tpu.dma_semaphore, #tpu.memory_space<semaphore_mem>>) src(%dma_wait3A_51 : memref<160x64xf32, #tpu.memory_space<vmem_shared>>) dst(%arg11 : memref<160x64xf32, #tpu.memory_space<vmem>>)
      tpu.yield
    }) : () -> ()
    %add3A_41 = arith.constant 480 : i32
    %add3A_42 = arith.addi %mul3A_0, %add3A_41 : i32
    "tpu.region"() ({
      %run_scoped3A_43 = tpu.sem_alloc : memref<!tpu.dma_semaphore, #tpu.memory_space<semaphore_mem>>
      %dma_start3A_44 = arith.constant 0 : i32
      %dma_start3A_45 = tpu.memref_slice %arg6[%arg0, %add3A_42, %dma_start3A_44] : memref<2x10240x64xf32, #tpu.memory_space<hbm>> -> memref<1x160x64xf32, #tpu.memory_space<hbm>>
      %dma_start3A_46 = tpu.memref_squeeze %dma_start3A_45 : memref<1x160x64xf32, #tpu.memory_space<hbm>> -> memref<160x64xf32, #tpu.memory_space<hbm>>
      %dma_start3A_47 = arith.constant 0 : i32
      %dma_start3A_48 = tpu.memref_slice %arg6[%arg0, %add3A_42, %dma_start3A_47] : memref<2x10240x64xf32, #tpu.memory_space<hbm>> -> memref<1x160x64xf32, #tpu.memory_space<hbm>>
      %dma_start3A_49 = tpu.memref_squeeze %dma_start3A_48 : memref<1x160x64xf32, #tpu.memory_space<hbm>> -> memref<160x64xf32, #tpu.memory_space<hbm>>
      tpu.enqueue_dma source(%arg11 : memref<160x64xf32, #tpu.memory_space<vmem>>) target(%dma_start3A_49 : memref<160x64xf32, #tpu.memory_space<hbm>>) target_semaphore(%run_scoped3A_43 : memref<!tpu.dma_semaphore, #tpu.memory_space<semaphore_mem>>)
      %dma_wait3A_50 = arith.constant 0 : i32
      %dma_wait3A_51 = tpu.memref_slice %arg6[%arg0, %add3A_42, %dma_wait3A_50] : memref<2x10240x64xf32, #tpu.memory_space<hbm>> -> memref<1x160x64xf32, #tpu.memory_space<hbm>>
      %dma_wait3A_52 = tpu.memref_squeeze %dma_wait3A_51 : memref<1x160x64xf32, #tpu.memory_space<hbm>> -> memref<160x64xf32, #tpu.memory_space<hbm>>
      %dma_wait3A_53 = arith.constant 0 : i32
      %dma_wait3A_54 = tpu.memref_slice %arg6[%arg0, %add3A_42, %dma_wait3A_53] : memref<2x10240x64xf32, #tpu.memory_space<hbm>> -> memref<1x160x64xf32, #tpu.memory_space<hbm>>
      %dma_wait3A_55 = tpu.memref_squeeze %dma_wait3A_54 : memref<1x160x64xf32, #tpu.memory_space<hbm>> -> memref<160x64xf32, #tpu.memory_space<hbm>>
      tpu.wait_dma2 semaphore(%run_scoped3A_43 : memref<!tpu.dma_semaphore, #tpu.memory_space<semaphore_mem>>) src(%arg11 : memref<160x64xf32, #tpu.memory_space<vmem>>) dst(%dma_wait3A_55 : memref<160x64xf32, #tpu.memory_space<hbm>>)
      tpu.yield
    }) : () -> ()
    return
  }
}

#map = affine_map<(d0, d1) -> (0, 0)>
#map1 = affine_map<(d0, d1) -> (0, 0, 0, 0)>
#map2 = affine_map<(d0, d1) -> (0, 0, 0)>
module attributes {stable_mosaic.version = 14 : i64} {
  func.func @_sc_scatter(%arg0: i32, %arg1: i32, %arg2: memref<20000x64xf32, #tpu.memory_space<hbm>>, %arg3: memref<2x16x157x128xi32, #tpu.memory_space<hbm>>, %arg4: memref<16x157x128xi32, #tpu.memory_space<hbm>>, %arg5: memref<160x64xf32, #tpu.memory_space<hbm>>, %arg6: memref<2x10240x64xf32, #tpu.memory_space<hbm>>, %arg7: memref<157x128xi32, #tpu.memory_space<vmem>>, %arg8: memref<157x128xi32, #tpu.memory_space<vmem>>, %arg9: memref<128x64xf32, #tpu.memory_space<vmem>>, %arg10: memref<128x64xf32, #tpu.memory_space<vmem>>, %arg11: memref<160x64xf32, #tpu.memory_space<vmem>>, %arg12: memref<10240x64xf32, #tpu.memory_space<vmem_shared>>, %arg13: memref<!tpu.dma_semaphore, #tpu.memory_space<semaphore_mem>>, %arg14: memref<!tpu.dma_semaphore, #tpu.memory_space<semaphore_mem>>) attributes {dimension_semantics = [#tpu.dimension_semantics<core_parallel>, #tpu.dimension_semantics<subcore_parallel>], iteration_bounds = array<i64: 2, 16>, scalar_prefetch = 0 : i64, scratch_operands = 8 : i64, tpu.core_type = #tpu.core_type<sc_vector_subcore>, window_params = [{transform_indices = #map}, {transform_indices = #map1}, {transform_indices = #map2}, {transform_indices = #map}, {transform_indices = #map2}]} {
    %mul3A = arith.constant 640 : i32
    %mul3A_0 = arith.muli %arg1, %mul3A : i32
    "tpu.region"() ({
      %run_scoped3A_43 = tpu.sem_alloc : memref<!tpu.dma_semaphore, #tpu.memory_space<semaphore_mem>>
      tpu.enqueue_dma source(%arg5 : memref<160x64xf32, #tpu.memory_space<hbm>>) target(%arg11 : memref<160x64xf32, #tpu.memory_space<vmem>>) target_semaphore(%run_scoped3A_43 : memref<!tpu.dma_semaphore, #tpu.memory_space<semaphore_mem>>)
      tpu.wait_dma2 semaphore(%run_scoped3A_43 : memref<!tpu.dma_semaphore, #tpu.memory_space<semaphore_mem>>) src(%arg5 : memref<160x64xf32, #tpu.memory_space<hbm>>) dst(%arg11 : memref<160x64xf32, #tpu.memory_space<vmem>>)
      tpu.yield
    }) : () -> ()
    %add3A = arith.constant 0 : i32
    %add3A_1 = arith.addi %mul3A_0, %add3A : i32
    "tpu.region"() ({
      %run_scoped3A_43 = tpu.sem_alloc : memref<!tpu.dma_semaphore, #tpu.memory_space<semaphore_mem>>
      %dma_start3A_44 = arith.constant 0 : i32
      %dma_start3A_45 = tpu.memref_slice %arg12[%add3A_1, %dma_start3A_44] : memref<10240x64xf32, #tpu.memory_space<vmem_shared>> -> memref<160x64xf32, #tpu.memory_space<vmem_shared>>
      %dma_start3A_46 = arith.constant 0 : i32
      %dma_start3A_47 = tpu.memref_slice %arg12[%add3A_1, %dma_start3A_46] : memref<10240x64xf32, #tpu.memory_space<vmem_shared>> -> memref<160x64xf32, #tpu.memory_space<vmem_shared>>
      tpu.enqueue_dma source(%arg11 : memref<160x64xf32, #tpu.memory_space<vmem>>) target(%dma_start3A_47 : memref<160x64xf32, #tpu.memory_space<vmem_shared>>) target_semaphore(%run_scoped3A_43 : memref<!tpu.dma_semaphore, #tpu.memory_space<semaphore_mem>>)
      %dma_wait3A_48 = arith.constant 0 : i32
      %dma_wait3A_49 = tpu.memref_slice %arg12[%add3A_1, %dma_wait3A_48] : memref<10240x64xf32, #tpu.memory_space<vmem_shared>> -> memref<160x64xf32, #tpu.memory_space<vmem_shared>>
      %dma_wait3A_50 = arith.constant 0 : i32
      %dma_wait3A_51 = tpu.memref_slice %arg12[%add3A_1, %dma_wait3A_50] : memref<10240x64xf32, #tpu.memory_space<vmem_shared>> -> memref<160x64xf32, #tpu.memory_space<vmem_shared>>
      tpu.wait_dma2 semaphore(%run_scoped3A_43 : memref<!tpu.dma_semaphore, #tpu.memory_space<semaphore_mem>>) src(%arg11 : memref<160x64xf32, #tpu.memory_space<vmem>>) dst(%dma_wait3A_51 : memref<160x64xf32, #tpu.memory_space<vmem_shared>>)
      tpu.yield
    }) : () -> ()
    %add3A_2 = arith.constant 160 : i32
    %add3A_3 = arith.addi %mul3A_0, %add3A_2 : i32
    "tpu.region"() ({
      %run_scoped3A_43 = tpu.sem_alloc : memref<!tpu.dma_semaphore, #tpu.memory_space<semaphore_mem>>
      %dma_start3A_44 = arith.constant 0 : i32
      %dma_start3A_45 = tpu.memref_slice %arg12[%add3A_3, %dma_start3A_44] : memref<10240x64xf32, #tpu.memory_space<vmem_shared>> -> memref<160x64xf32, #tpu.memory_space<vmem_shared>>
      %dma_start3A_46 = arith.constant 0 : i32
      %dma_start3A_47 = tpu.memref_slice %arg12[%add3A_3, %dma_start3A_46] : memref<10240x64xf32, #tpu.memory_space<vmem_shared>> -> memref<160x64xf32, #tpu.memory_space<vmem_shared>>
      tpu.enqueue_dma source(%arg11 : memref<160x64xf32, #tpu.memory_space<vmem>>) target(%dma_start3A_47 : memref<160x64xf32, #tpu.memory_space<vmem_shared>>) target_semaphore(%run_scoped3A_43 : memref<!tpu.dma_semaphore, #tpu.memory_space<semaphore_mem>>)
      %dma_wait3A_48 = arith.constant 0 : i32
      %dma_wait3A_49 = tpu.memref_slice %arg12[%add3A_3, %dma_wait3A_48] : memref<10240x64xf32, #tpu.memory_space<vmem_shared>> -> memref<160x64xf32, #tpu.memory_space<vmem_shared>>
      %dma_wait3A_50 = arith.constant 0 : i32
      %dma_wait3A_51 = tpu.memref_slice %arg12[%add3A_3, %dma_wait3A_50] : memref<10240x64xf32, #tpu.memory_space<vmem_shared>> -> memref<160x64xf32, #tpu.memory_space<vmem_shared>>
      tpu.wait_dma2 semaphore(%run_scoped3A_43 : memref<!tpu.dma_semaphore, #tpu.memory_space<semaphore_mem>>) src(%arg11 : memref<160x64xf32, #tpu.memory_space<vmem>>) dst(%dma_wait3A_51 : memref<160x64xf32, #tpu.memory_space<vmem_shared>>)
      tpu.yield
    }) : () -> ()
    %add3A_4 = arith.constant 320 : i32
    %add3A_5 = arith.addi %mul3A_0, %add3A_4 : i32
    "tpu.region"() ({
      %run_scoped3A_43 = tpu.sem_alloc : memref<!tpu.dma_semaphore, #tpu.memory_space<semaphore_mem>>
      %dma_start3A_44 = arith.constant 0 : i32
      %dma_start3A_45 = tpu.memref_slice %arg12[%add3A_5, %dma_start3A_44] : memref<10240x64xf32, #tpu.memory_space<vmem_shared>> -> memref<160x64xf32, #tpu.memory_space<vmem_shared>>
      %dma_start3A_46 = arith.constant 0 : i32
      %dma_start3A_47 = tpu.memref_slice %arg12[%add3A_5, %dma_start3A_46] : memref<10240x64xf32, #tpu.memory_space<vmem_shared>> -> memref<160x64xf32, #tpu.memory_space<vmem_shared>>
      tpu.enqueue_dma source(%arg11 : memref<160x64xf32, #tpu.memory_space<vmem>>) target(%dma_start3A_47 : memref<160x64xf32, #tpu.memory_space<vmem_shared>>) target_semaphore(%run_scoped3A_43 : memref<!tpu.dma_semaphore, #tpu.memory_space<semaphore_mem>>)
      %dma_wait3A_48 = arith.constant 0 : i32
      %dma_wait3A_49 = tpu.memref_slice %arg12[%add3A_5, %dma_wait3A_48] : memref<10240x64xf32, #tpu.memory_space<vmem_shared>> -> memref<160x64xf32, #tpu.memory_space<vmem_shared>>
      %dma_wait3A_50 = arith.constant 0 : i32
      %dma_wait3A_51 = tpu.memref_slice %arg12[%add3A_5, %dma_wait3A_50] : memref<10240x64xf32, #tpu.memory_space<vmem_shared>> -> memref<160x64xf32, #tpu.memory_space<vmem_shared>>
      tpu.wait_dma2 semaphore(%run_scoped3A_43 : memref<!tpu.dma_semaphore, #tpu.memory_space<semaphore_mem>>) src(%arg11 : memref<160x64xf32, #tpu.memory_space<vmem>>) dst(%dma_wait3A_51 : memref<160x64xf32, #tpu.memory_space<vmem_shared>>)
      tpu.yield
    }) : () -> ()
    %add3A_6 = arith.constant 480 : i32
    %add3A_7 = arith.addi %mul3A_0, %add3A_6 : i32
    "tpu.region"() ({
      %run_scoped3A_43 = tpu.sem_alloc : memref<!tpu.dma_semaphore, #tpu.memory_space<semaphore_mem>>
      %dma_start3A_44 = arith.constant 0 : i32
      %dma_start3A_45 = tpu.memref_slice %arg12[%add3A_7, %dma_start3A_44] : memref<10240x64xf32, #tpu.memory_space<vmem_shared>> -> memref<160x64xf32, #tpu.memory_space<vmem_shared>>
      %dma_start3A_46 = arith.constant 0 : i32
      %dma_start3A_47 = tpu.memref_slice %arg12[%add3A_7, %dma_start3A_46] : memref<10240x64xf32, #tpu.memory_space<vmem_shared>> -> memref<160x64xf32, #tpu.memory_space<vmem_shared>>
      tpu.enqueue_dma source(%arg11 : memref<160x64xf32, #tpu.memory_space<vmem>>) target(%dma_start3A_47 : memref<160x64xf32, #tpu.memory_space<vmem_shared>>) target_semaphore(%run_scoped3A_43 : memref<!tpu.dma_semaphore, #tpu.memory_space<semaphore_mem>>)
      %dma_wait3A_48 = arith.constant 0 : i32
      %dma_wait3A_49 = tpu.memref_slice %arg12[%add3A_7, %dma_wait3A_48] : memref<10240x64xf32, #tpu.memory_space<vmem_shared>> -> memref<160x64xf32, #tpu.memory_space<vmem_shared>>
      %dma_wait3A_50 = arith.constant 0 : i32
      %dma_wait3A_51 = tpu.memref_slice %arg12[%add3A_7, %dma_wait3A_50] : memref<10240x64xf32, #tpu.memory_space<vmem_shared>> -> memref<160x64xf32, #tpu.memory_space<vmem_shared>>
      tpu.wait_dma2 semaphore(%run_scoped3A_43 : memref<!tpu.dma_semaphore, #tpu.memory_space<semaphore_mem>>) src(%arg11 : memref<160x64xf32, #tpu.memory_space<vmem>>) dst(%dma_wait3A_51 : memref<160x64xf32, #tpu.memory_space<vmem_shared>>)
      tpu.yield
    }) : () -> ()
    "tpu.region"() ({
      %run_scoped3A_43 = tpu.sem_alloc : memref<!tpu.dma_semaphore, #tpu.memory_space<semaphore_mem>>
      %dma_start3A_44 = arith.constant 0 : i32
      %dma_start3A_45 = arith.constant 0 : i32
      %dma_start3A_46 = tpu.memref_slice %arg3[%arg0, %arg1, %dma_start3A_44, %dma_start3A_45] : memref<2x16x157x128xi32, #tpu.memory_space<hbm>> -> memref<1x1x157x128xi32, #tpu.memory_space<hbm>>
      %dma_start3A_47 = tpu.memref_squeeze %dma_start3A_46 : memref<1x1x157x128xi32, #tpu.memory_space<hbm>> -> memref<157x128xi32, #tpu.memory_space<hbm>>
      %dma_start3A_48 = arith.constant 0 : i32
      %dma_start3A_49 = arith.constant 0 : i32
      %dma_start3A_50 = tpu.memref_slice %arg3[%arg0, %arg1, %dma_start3A_48, %dma_start3A_49] : memref<2x16x157x128xi32, #tpu.memory_space<hbm>> -> memref<1x1x157x128xi32, #tpu.memory_space<hbm>>
      %dma_start3A_51 = tpu.memref_squeeze %dma_start3A_50 : memref<1x1x157x128xi32, #tpu.memory_space<hbm>> -> memref<157x128xi32, #tpu.memory_space<hbm>>
      tpu.enqueue_dma source(%dma_start3A_51 : memref<157x128xi32, #tpu.memory_space<hbm>>) target(%arg7 : memref<157x128xi32, #tpu.memory_space<vmem>>) target_semaphore(%run_scoped3A_43 : memref<!tpu.dma_semaphore, #tpu.memory_space<semaphore_mem>>)
      %dma_wait3A_52 = arith.constant 0 : i32
      %dma_wait3A_53 = arith.constant 0 : i32
      %dma_wait3A_54 = tpu.memref_slice %arg3[%arg0, %arg1, %dma_wait3A_52, %dma_wait3A_53] : memref<2x16x157x128xi32, #tpu.memory_space<hbm>> -> memref<1x1x157x128xi32, #tpu.memory_space<hbm>>
      %dma_wait3A_55 = tpu.memref_squeeze %dma_wait3A_54 : memref<1x1x157x128xi32, #tpu.memory_space<hbm>> -> memref<157x128xi32, #tpu.memory_space<hbm>>
      %dma_wait3A_56 = arith.constant 0 : i32
      %dma_wait3A_57 = arith.constant 0 : i32
      %dma_wait3A_58 = tpu.memref_slice %arg3[%arg0, %arg1, %dma_wait3A_56, %dma_wait3A_57] : memref<2x16x157x128xi32, #tpu.memory_space<hbm>> -> memref<1x1x157x128xi32, #tpu.memory_space<hbm>>
      %dma_wait3A_59 = tpu.memref_squeeze %dma_wait3A_58 : memref<1x1x157x128xi32, #tpu.memory_space<hbm>> -> memref<157x128xi32, #tpu.memory_space<hbm>>
      tpu.wait_dma2 semaphore(%run_scoped3A_43 : memref<!tpu.dma_semaphore, #tpu.memory_space<semaphore_mem>>) src(%dma_wait3A_59 : memref<157x128xi32, #tpu.memory_space<hbm>>) dst(%arg7 : memref<157x128xi32, #tpu.memory_space<vmem>>)
      tpu.yield
    }) : () -> ()
    "tpu.region"() ({
      %run_scoped3A_43 = tpu.sem_alloc : memref<!tpu.dma_semaphore, #tpu.memory_space<semaphore_mem>>
      %dma_start3A_44 = arith.constant 0 : i32
      %dma_start3A_45 = arith.constant 0 : i32
      %dma_start3A_46 = tpu.memref_slice %arg4[%arg1, %dma_start3A_44, %dma_start3A_45] : memref<16x157x128xi32, #tpu.memory_space<hbm>> -> memref<1x157x128xi32, #tpu.memory_space<hbm>>
      %dma_start3A_47 = tpu.memref_squeeze %dma_start3A_46 : memref<1x157x128xi32, #tpu.memory_space<hbm>> -> memref<157x128xi32, #tpu.memory_space<hbm>>
      %dma_start3A_48 = arith.constant 0 : i32
      %dma_start3A_49 = arith.constant 0 : i32
      %dma_start3A_50 = tpu.memref_slice %arg4[%arg1, %dma_start3A_48, %dma_start3A_49] : memref<16x157x128xi32, #tpu.memory_space<hbm>> -> memref<1x157x128xi32, #tpu.memory_space<hbm>>
      %dma_start3A_51 = tpu.memref_squeeze %dma_start3A_50 : memref<1x157x128xi32, #tpu.memory_space<hbm>> -> memref<157x128xi32, #tpu.memory_space<hbm>>
      tpu.enqueue_dma source(%dma_start3A_51 : memref<157x128xi32, #tpu.memory_space<hbm>>) target(%arg8 : memref<157x128xi32, #tpu.memory_space<vmem>>) target_semaphore(%run_scoped3A_43 : memref<!tpu.dma_semaphore, #tpu.memory_space<semaphore_mem>>)
      %dma_wait3A_52 = arith.constant 0 : i32
      %dma_wait3A_53 = arith.constant 0 : i32
      %dma_wait3A_54 = tpu.memref_slice %arg4[%arg1, %dma_wait3A_52, %dma_wait3A_53] : memref<16x157x128xi32, #tpu.memory_space<hbm>> -> memref<1x157x128xi32, #tpu.memory_space<hbm>>
      %dma_wait3A_55 = tpu.memref_squeeze %dma_wait3A_54 : memref<1x157x128xi32, #tpu.memory_space<hbm>> -> memref<157x128xi32, #tpu.memory_space<hbm>>
      %dma_wait3A_56 = arith.constant 0 : i32
      %dma_wait3A_57 = arith.constant 0 : i32
      %dma_wait3A_58 = tpu.memref_slice %arg4[%arg1, %dma_wait3A_56, %dma_wait3A_57] : memref<16x157x128xi32, #tpu.memory_space<hbm>> -> memref<1x157x128xi32, #tpu.memory_space<hbm>>
      %dma_wait3A_59 = tpu.memref_squeeze %dma_wait3A_58 : memref<1x157x128xi32, #tpu.memory_space<hbm>> -> memref<157x128xi32, #tpu.memory_space<hbm>>
      tpu.wait_dma2 semaphore(%run_scoped3A_43 : memref<!tpu.dma_semaphore, #tpu.memory_space<semaphore_mem>>) src(%dma_wait3A_59 : memref<157x128xi32, #tpu.memory_space<hbm>>) dst(%arg8 : memref<157x128xi32, #tpu.memory_space<vmem>>)
      tpu.yield
    }) : () -> ()
    %barrier3A = arith.constant 0 : index
    tpu.barrier barrier_id(%barrier3A)
    %dma_start3A = arith.constant 0 : i32
    %dma_start3A_8 = arith.constant 0 : i32
    %dma_start3A_9 = tpu.memref_slice %arg7[%dma_start3A, %dma_start3A_8] : memref<157x128xi32, #tpu.memory_space<vmem>> -> memref<1x128xi32, #tpu.memory_space<vmem>>
    %dma_start3A_10 = tpu.memref_squeeze %dma_start3A_9 : memref<1x128xi32, #tpu.memory_space<vmem>> -> memref<128xi32, #tpu.memory_space<vmem>>
    %dma_start3A_11 = arith.constant 0 : i32
    %dma_start3A_12 = arith.constant 0 : i32
    %dma_start3A_13 = tpu.memref_slice %arg2[%dma_start3A_11, %dma_start3A_12] : memref<20000x64xf32, #tpu.memory_space<hbm>> -> memref<20000x64xf32, #tpu.memory_space<hbm>>
    tpu.enqueue_indirect_dma source(%dma_start3A_13 : memref<20000x64xf32, #tpu.memory_space<hbm>>) target(%arg9 : memref<128x64xf32, #tpu.memory_space<vmem>>) offsets(%dma_start3A_10 : memref<128xi32, #tpu.memory_space<vmem>>) semaphore(%arg13 : memref<!tpu.dma_semaphore, #tpu.memory_space<semaphore_mem>>)
    %scan3A = arith.constant 0 : i32
    %scan3A_14 = arith.constant 0 : i32
    %scan3A_15 = arith.constant 0 : i32
    %scan3A_16 = arith.constant 78 : i32
    %scan3A_17 = arith.addi %scan3A_15, %scan3A_16 : i32
    %scan3A_18 = arith.constant 1 : i32
    scf.for %scan3A_43 = %scan3A_15 to %scan3A_17 step %scan3A_18  : i32 {
      %mul3A_44 = arith.constant 2 : i32
      %mul3A_45 = arith.muli %mul3A_44, %scan3A_43 : i32
      %add3A_46 = arith.constant 1 : i32
      %add3A_47 = arith.addi %mul3A_45, %add3A_46 : i32
      %dma_start3A_48 = arith.constant 0 : i32
      %dma_start3A_49 = tpu.memref_slice %arg7[%add3A_47, %dma_start3A_48] : memref<157x128xi32, #tpu.memory_space<vmem>> -> memref<1x128xi32, #tpu.memory_space<vmem>>
      %dma_start3A_50 = tpu.memref_squeeze %dma_start3A_49 : memref<1x128xi32, #tpu.memory_space<vmem>> -> memref<128xi32, #tpu.memory_space<vmem>>
      %dma_start3A_51 = arith.constant 0 : i32
      %dma_start3A_52 = arith.constant 0 : i32
      %dma_start3A_53 = tpu.memref_slice %arg2[%dma_start3A_51, %dma_start3A_52] : memref<20000x64xf32, #tpu.memory_space<hbm>> -> memref<20000x64xf32, #tpu.memory_space<hbm>>
      tpu.enqueue_indirect_dma source(%dma_start3A_53 : memref<20000x64xf32, #tpu.memory_space<hbm>>) target(%arg10 : memref<128x64xf32, #tpu.memory_space<vmem>>) offsets(%dma_start3A_50 : memref<128xi32, #tpu.memory_space<vmem>>) semaphore(%arg14 : memref<!tpu.dma_semaphore, #tpu.memory_space<semaphore_mem>>)
      %dma_wait3A_54 = arith.constant 0 : i32
      %dma_wait3A_55 = tpu.memref_slice %arg7[%scan3A_14, %dma_wait3A_54] : memref<157x128xi32, #tpu.memory_space<vmem>> -> memref<1x128xi32, #tpu.memory_space<vmem>>
      %dma_wait3A_56 = tpu.memref_squeeze %dma_wait3A_55 : memref<1x128xi32, #tpu.memory_space<vmem>> -> memref<128xi32, #tpu.memory_space<vmem>>
      %dma_wait3A_57 = arith.constant 0 : i32
      %dma_wait3A_58 = arith.constant 0 : i32
      %dma_wait3A_59 = tpu.memref_slice %arg2[%dma_wait3A_57, %dma_wait3A_58] : memref<20000x64xf32, #tpu.memory_space<hbm>> -> memref<20000x64xf32, #tpu.memory_space<hbm>>
      tpu.wait_indirect_dma semaphore(%arg13 : memref<!tpu.dma_semaphore, #tpu.memory_space<semaphore_mem>>) src(%dma_wait3A_59 : memref<20000x64xf32, #tpu.memory_space<hbm>>) dst(%arg9 : memref<128x64xf32, #tpu.memory_space<vmem>>)
      "tpu.region"() ({
        %run_scoped3A_76 = tpu.sem_alloc : memref<!tpu.dma_semaphore, #tpu.memory_space<semaphore_mem>>
        %dma_start3A_77 = arith.constant 0 : i32
        %dma_start3A_78 = tpu.memref_slice %arg8[%mul3A_45, %dma_start3A_77] : memref<157x128xi32, #tpu.memory_space<vmem>> -> memref<1x128xi32, #tpu.memory_space<vmem>>
        %dma_start3A_79 = tpu.memref_squeeze %dma_start3A_78 : memref<1x128xi32, #tpu.memory_space<vmem>> -> memref<128xi32, #tpu.memory_space<vmem>>
        %dma_start3A_80 = arith.constant 0 : i32
        %dma_start3A_81 = arith.constant 0 : i32
        %dma_start3A_82 = tpu.memref_slice %arg12[%dma_start3A_80, %dma_start3A_81] : memref<10240x64xf32, #tpu.memory_space<vmem_shared>> -> memref<10240x64xf32, #tpu.memory_space<vmem_shared>>
        tpu.enqueue_indirect_dma source(%arg9 : memref<128x64xf32, #tpu.memory_space<vmem>>) target(%dma_start3A_82 : memref<10240x64xf32, #tpu.memory_space<vmem_shared>>) offsets(%dma_start3A_79 : memref<128xi32, #tpu.memory_space<vmem>>) semaphore(%run_scoped3A_76 : memref<!tpu.dma_semaphore, #tpu.memory_space<semaphore_mem>>) {add = true}
        %dma_wait3A_83 = arith.constant 0 : i32
        %dma_wait3A_84 = tpu.memref_slice %arg8[%mul3A_45, %dma_wait3A_83] : memref<157x128xi32, #tpu.memory_space<vmem>> -> memref<1x128xi32, #tpu.memory_space<vmem>>
        %dma_wait3A_85 = tpu.memref_squeeze %dma_wait3A_84 : memref<1x128xi32, #tpu.memory_space<vmem>> -> memref<128xi32, #tpu.memory_space<vmem>>
        %dma_wait3A_86 = arith.constant 0 : i32
        %dma_wait3A_87 = arith.constant 0 : i32
        %dma_wait3A_88 = tpu.memref_slice %arg12[%dma_wait3A_86, %dma_wait3A_87] : memref<10240x64xf32, #tpu.memory_space<vmem_shared>> -> memref<10240x64xf32, #tpu.memory_space<vmem_shared>>
        tpu.wait_indirect_dma semaphore(%run_scoped3A_76 : memref<!tpu.dma_semaphore, #tpu.memory_space<semaphore_mem>>) src(%arg9 : memref<128x64xf32, #tpu.memory_space<vmem>>) dst(%dma_wait3A_88 : memref<10240x64xf32, #tpu.memory_space<vmem_shared>>)
        tpu.yield
      }) : () -> ()
      %add3A_60 = arith.constant 2 : i32
      %add3A_61 = arith.addi %mul3A_45, %add3A_60 : i32
      %dma_start3A_62 = arith.constant 0 : i32
      %dma_start3A_63 = tpu.memref_slice %arg7[%add3A_61, %dma_start3A_62] : memref<157x128xi32, #tpu.memory_space<vmem>> -> memref<1x128xi32, #tpu.memory_space<vmem>>
      %dma_start3A_64 = tpu.memref_squeeze %dma_start3A_63 : memref<1x128xi32, #tpu.memory_space<vmem>> -> memref<128xi32, #tpu.memory_space<vmem>>
      %dma_start3A_65 = arith.constant 0 : i32
      %dma_start3A_66 = arith.constant 0 : i32
      %dma_start3A_67 = tpu.memref_slice %arg2[%dma_start3A_65, %dma_start3A_66] : memref<20000x64xf32, #tpu.memory_space<hbm>> -> memref<20000x64xf32, #tpu.memory_space<hbm>>
      tpu.enqueue_indirect_dma source(%dma_start3A_67 : memref<20000x64xf32, #tpu.memory_space<hbm>>) target(%arg9 : memref<128x64xf32, #tpu.memory_space<vmem>>) offsets(%dma_start3A_64 : memref<128xi32, #tpu.memory_space<vmem>>) semaphore(%arg13 : memref<!tpu.dma_semaphore, #tpu.memory_space<semaphore_mem>>)
      %dma_wait3A_68 = arith.constant 0 : i32
      %dma_wait3A_69 = tpu.memref_slice %arg7[%add3A_47, %dma_wait3A_68] : memref<157x128xi32, #tpu.memory_space<vmem>> -> memref<1x128xi32, #tpu.memory_space<vmem>>
      %dma_wait3A_70 = tpu.memref_squeeze %dma_wait3A_69 : memref<1x128xi32, #tpu.memory_space<vmem>> -> memref<128xi32, #tpu.memory_space<vmem>>
      %dma_wait3A_71 = arith.constant 0 : i32
      %dma_wait3A_72 = arith.constant 0 : i32
      %dma_wait3A_73 = tpu.memref_slice %arg2[%dma_wait3A_71, %dma_wait3A_72] : memref<20000x64xf32, #tpu.memory_space<hbm>> -> memref<20000x64xf32, #tpu.memory_space<hbm>>
      tpu.wait_indirect_dma semaphore(%arg14 : memref<!tpu.dma_semaphore, #tpu.memory_space<semaphore_mem>>) src(%dma_wait3A_73 : memref<20000x64xf32, #tpu.memory_space<hbm>>) dst(%arg10 : memref<128x64xf32, #tpu.memory_space<vmem>>)
      %add3A_74 = arith.constant 1 : i32
      %add3A_75 = arith.addi %mul3A_45, %add3A_74 : i32
      "tpu.region"() ({
        %run_scoped3A_76 = tpu.sem_alloc : memref<!tpu.dma_semaphore, #tpu.memory_space<semaphore_mem>>
        %dma_start3A_77 = arith.constant 0 : i32
        %dma_start3A_78 = tpu.memref_slice %arg8[%add3A_75, %dma_start3A_77] : memref<157x128xi32, #tpu.memory_space<vmem>> -> memref<1x128xi32, #tpu.memory_space<vmem>>
        %dma_start3A_79 = tpu.memref_squeeze %dma_start3A_78 : memref<1x128xi32, #tpu.memory_space<vmem>> -> memref<128xi32, #tpu.memory_space<vmem>>
        %dma_start3A_80 = arith.constant 0 : i32
        %dma_start3A_81 = arith.constant 0 : i32
        %dma_start3A_82 = tpu.memref_slice %arg12[%dma_start3A_80, %dma_start3A_81] : memref<10240x64xf32, #tpu.memory_space<vmem_shared>> -> memref<10240x64xf32, #tpu.memory_space<vmem_shared>>
        tpu.enqueue_indirect_dma source(%arg10 : memref<128x64xf32, #tpu.memory_space<vmem>>) target(%dma_start3A_82 : memref<10240x64xf32, #tpu.memory_space<vmem_shared>>) offsets(%dma_start3A_79 : memref<128xi32, #tpu.memory_space<vmem>>) semaphore(%run_scoped3A_76 : memref<!tpu.dma_semaphore, #tpu.memory_space<semaphore_mem>>) {add = true}
        %dma_wait3A_83 = arith.constant 0 : i32
        %dma_wait3A_84 = tpu.memref_slice %arg8[%add3A_75, %dma_wait3A_83] : memref<157x128xi32, #tpu.memory_space<vmem>> -> memref<1x128xi32, #tpu.memory_space<vmem>>
        %dma_wait3A_85 = tpu.memref_squeeze %dma_wait3A_84 : memref<1x128xi32, #tpu.memory_space<vmem>> -> memref<128xi32, #tpu.memory_space<vmem>>
        %dma_wait3A_86 = arith.constant 0 : i32
        %dma_wait3A_87 = arith.constant 0 : i32
        %dma_wait3A_88 = tpu.memref_slice %arg12[%dma_wait3A_86, %dma_wait3A_87] : memref<10240x64xf32, #tpu.memory_space<vmem_shared>> -> memref<10240x64xf32, #tpu.memory_space<vmem_shared>>
        tpu.wait_indirect_dma semaphore(%run_scoped3A_76 : memref<!tpu.dma_semaphore, #tpu.memory_space<semaphore_mem>>) src(%arg10 : memref<128x64xf32, #tpu.memory_space<vmem>>) dst(%dma_wait3A_88 : memref<10240x64xf32, #tpu.memory_space<vmem_shared>>)
        tpu.yield
      }) : () -> ()
    }
    %scan3A_19 = arith.constant 78 : i32
    %dma_wait3A = arith.constant 0 : i32
    %dma_wait3A_20 = arith.constant 0 : i32
    %dma_wait3A_21 = tpu.memref_slice %arg7[%dma_wait3A, %dma_wait3A_20] : memref<157x128xi32, #tpu.memory_space<vmem>> -> memref<1x128xi32, #tpu.memory_space<vmem>>
    %dma_wait3A_22 = tpu.memref_squeeze %dma_wait3A_21 : memref<1x128xi32, #tpu.memory_space<vmem>> -> memref<128xi32, #tpu.memory_space<vmem>>
    %dma_wait3A_23 = arith.constant 0 : i32
    %dma_wait3A_24 = arith.constant 0 : i32
    %dma_wait3A_25 = tpu.memref_slice %arg2[%dma_wait3A_23, %dma_wait3A_24] : memref<20000x64xf32, #tpu.memory_space<hbm>> -> memref<20000x64xf32, #tpu.memory_space<hbm>>
    tpu.wait_indirect_dma semaphore(%arg13 : memref<!tpu.dma_semaphore, #tpu.memory_space<semaphore_mem>>) src(%dma_wait3A_25 : memref<20000x64xf32, #tpu.memory_space<hbm>>) dst(%arg9 : memref<128x64xf32, #tpu.memory_space<vmem>>)
    %run_scoped3A = arith.constant 156 : i32
    "tpu.region"() ({
      %run_scoped3A_43 = tpu.sem_alloc : memref<!tpu.dma_semaphore, #tpu.memory_space<semaphore_mem>>
      %dma_start3A_44 = arith.constant 0 : i32
      %dma_start3A_45 = tpu.memref_slice %arg8[%run_scoped3A, %dma_start3A_44] : memref<157x128xi32, #tpu.memory_space<vmem>> -> memref<1x128xi32, #tpu.memory_space<vmem>>
      %dma_start3A_46 = tpu.memref_squeeze %dma_start3A_45 : memref<1x128xi32, #tpu.memory_space<vmem>> -> memref<128xi32, #tpu.memory_space<vmem>>
      %dma_start3A_47 = arith.constant 0 : i32
      %dma_start3A_48 = arith.constant 0 : i32
      %dma_start3A_49 = tpu.memref_slice %arg12[%dma_start3A_47, %dma_start3A_48] : memref<10240x64xf32, #tpu.memory_space<vmem_shared>> -> memref<10240x64xf32, #tpu.memory_space<vmem_shared>>
      tpu.enqueue_indirect_dma source(%arg9 : memref<128x64xf32, #tpu.memory_space<vmem>>) target(%dma_start3A_49 : memref<10240x64xf32, #tpu.memory_space<vmem_shared>>) offsets(%dma_start3A_46 : memref<128xi32, #tpu.memory_space<vmem>>) semaphore(%run_scoped3A_43 : memref<!tpu.dma_semaphore, #tpu.memory_space<semaphore_mem>>) {add = true}
      %dma_wait3A_50 = arith.constant 0 : i32
      %dma_wait3A_51 = tpu.memref_slice %arg8[%run_scoped3A, %dma_wait3A_50] : memref<157x128xi32, #tpu.memory_space<vmem>> -> memref<1x128xi32, #tpu.memory_space<vmem>>
      %dma_wait3A_52 = tpu.memref_squeeze %dma_wait3A_51 : memref<1x128xi32, #tpu.memory_space<vmem>> -> memref<128xi32, #tpu.memory_space<vmem>>
      %dma_wait3A_53 = arith.constant 0 : i32
      %dma_wait3A_54 = arith.constant 0 : i32
      %dma_wait3A_55 = tpu.memref_slice %arg12[%dma_wait3A_53, %dma_wait3A_54] : memref<10240x64xf32, #tpu.memory_space<vmem_shared>> -> memref<10240x64xf32, #tpu.memory_space<vmem_shared>>
      tpu.wait_indirect_dma semaphore(%run_scoped3A_43 : memref<!tpu.dma_semaphore, #tpu.memory_space<semaphore_mem>>) src(%arg9 : memref<128x64xf32, #tpu.memory_space<vmem>>) dst(%dma_wait3A_55 : memref<10240x64xf32, #tpu.memory_space<vmem_shared>>)
      tpu.yield
    }) : () -> ()
    %barrier3A_26 = arith.constant 0 : index
    tpu.barrier barrier_id(%barrier3A_26)
    %add3A_27 = arith.constant 0 : i32
    %add3A_28 = arith.addi %mul3A_0, %add3A_27 : i32
    "tpu.region"() ({
      %run_scoped3A_43 = tpu.sem_alloc : memref<!tpu.dma_semaphore, #tpu.memory_space<semaphore_mem>>
      %dma_start3A_44 = arith.constant 0 : i32
      %dma_start3A_45 = tpu.memref_slice %arg12[%add3A_28, %dma_start3A_44] : memref<10240x64xf32, #tpu.memory_space<vmem_shared>> -> memref<160x64xf32, #tpu.memory_space<vmem_shared>>
      %dma_start3A_46 = arith.constant 0 : i32
      %dma_start3A_47 = tpu.memref_slice %arg12[%add3A_28, %dma_start3A_46] : memref<10240x64xf32, #tpu.memory_space<vmem_shared>> -> memref<160x64xf32, #tpu.memory_space<vmem_shared>>
      tpu.enqueue_dma source(%dma_start3A_47 : memref<160x64xf32, #tpu.memory_space<vmem_shared>>) target(%arg11 : memref<160x64xf32, #tpu.memory_space<vmem>>) target_semaphore(%run_scoped3A_43 : memref<!tpu.dma_semaphore, #tpu.memory_space<semaphore_mem>>)
      %dma_wait3A_48 = arith.constant 0 : i32
      %dma_wait3A_49 = tpu.memref_slice %arg12[%add3A_28, %dma_wait3A_48] : memref<10240x64xf32, #tpu.memory_space<vmem_shared>> -> memref<160x64xf32, #tpu.memory_space<vmem_shared>>
      %dma_wait3A_50 = arith.constant 0 : i32
      %dma_wait3A_51 = tpu.memref_slice %arg12[%add3A_28, %dma_wait3A_50] : memref<10240x64xf32, #tpu.memory_space<vmem_shared>> -> memref<160x64xf32, #tpu.memory_space<vmem_shared>>
      tpu.wait_dma2 semaphore(%run_scoped3A_43 : memref<!tpu.dma_semaphore, #tpu.memory_space<semaphore_mem>>) src(%dma_wait3A_51 : memref<160x64xf32, #tpu.memory_space<vmem_shared>>) dst(%arg11 : memref<160x64xf32, #tpu.memory_space<vmem>>)
      tpu.yield
    }) : () -> ()
    %add3A_29 = arith.constant 0 : i32
    %add3A_30 = arith.addi %mul3A_0, %add3A_29 : i32
    "tpu.region"() ({
      %run_scoped3A_43 = tpu.sem_alloc : memref<!tpu.dma_semaphore, #tpu.memory_space<semaphore_mem>>
      %dma_start3A_44 = arith.constant 0 : i32
      %dma_start3A_45 = tpu.memref_slice %arg6[%arg0, %add3A_30, %dma_start3A_44] : memref<2x10240x64xf32, #tpu.memory_space<hbm>> -> memref<1x160x64xf32, #tpu.memory_space<hbm>>
      %dma_start3A_46 = tpu.memref_squeeze %dma_start3A_45 : memref<1x160x64xf32, #tpu.memory_space<hbm>> -> memref<160x64xf32, #tpu.memory_space<hbm>>
      %dma_start3A_47 = arith.constant 0 : i32
      %dma_start3A_48 = tpu.memref_slice %arg6[%arg0, %add3A_30, %dma_start3A_47] : memref<2x10240x64xf32, #tpu.memory_space<hbm>> -> memref<1x160x64xf32, #tpu.memory_space<hbm>>
      %dma_start3A_49 = tpu.memref_squeeze %dma_start3A_48 : memref<1x160x64xf32, #tpu.memory_space<hbm>> -> memref<160x64xf32, #tpu.memory_space<hbm>>
      tpu.enqueue_dma source(%arg11 : memref<160x64xf32, #tpu.memory_space<vmem>>) target(%dma_start3A_49 : memref<160x64xf32, #tpu.memory_space<hbm>>) target_semaphore(%run_scoped3A_43 : memref<!tpu.dma_semaphore, #tpu.memory_space<semaphore_mem>>)
      %dma_wait3A_50 = arith.constant 0 : i32
      %dma_wait3A_51 = tpu.memref_slice %arg6[%arg0, %add3A_30, %dma_wait3A_50] : memref<2x10240x64xf32, #tpu.memory_space<hbm>> -> memref<1x160x64xf32, #tpu.memory_space<hbm>>
      %dma_wait3A_52 = tpu.memref_squeeze %dma_wait3A_51 : memref<1x160x64xf32, #tpu.memory_space<hbm>> -> memref<160x64xf32, #tpu.memory_space<hbm>>
      %dma_wait3A_53 = arith.constant 0 : i32
      %dma_wait3A_54 = tpu.memref_slice %arg6[%arg0, %add3A_30, %dma_wait3A_53] : memref<2x10240x64xf32, #tpu.memory_space<hbm>> -> memref<1x160x64xf32, #tpu.memory_space<hbm>>
      %dma_wait3A_55 = tpu.memref_squeeze %dma_wait3A_54 : memref<1x160x64xf32, #tpu.memory_space<hbm>> -> memref<160x64xf32, #tpu.memory_space<hbm>>
      tpu.wait_dma2 semaphore(%run_scoped3A_43 : memref<!tpu.dma_semaphore, #tpu.memory_space<semaphore_mem>>) src(%arg11 : memref<160x64xf32, #tpu.memory_space<vmem>>) dst(%dma_wait3A_55 : memref<160x64xf32, #tpu.memory_space<hbm>>)
      tpu.yield
    }) : () -> ()
    %add3A_31 = arith.constant 160 : i32
    %add3A_32 = arith.addi %mul3A_0, %add3A_31 : i32
    "tpu.region"() ({
      %run_scoped3A_43 = tpu.sem_alloc : memref<!tpu.dma_semaphore, #tpu.memory_space<semaphore_mem>>
      %dma_start3A_44 = arith.constant 0 : i32
      %dma_start3A_45 = tpu.memref_slice %arg12[%add3A_32, %dma_start3A_44] : memref<10240x64xf32, #tpu.memory_space<vmem_shared>> -> memref<160x64xf32, #tpu.memory_space<vmem_shared>>
      %dma_start3A_46 = arith.constant 0 : i32
      %dma_start3A_47 = tpu.memref_slice %arg12[%add3A_32, %dma_start3A_46] : memref<10240x64xf32, #tpu.memory_space<vmem_shared>> -> memref<160x64xf32, #tpu.memory_space<vmem_shared>>
      tpu.enqueue_dma source(%dma_start3A_47 : memref<160x64xf32, #tpu.memory_space<vmem_shared>>) target(%arg11 : memref<160x64xf32, #tpu.memory_space<vmem>>) target_semaphore(%run_scoped3A_43 : memref<!tpu.dma_semaphore, #tpu.memory_space<semaphore_mem>>)
      %dma_wait3A_48 = arith.constant 0 : i32
      %dma_wait3A_49 = tpu.memref_slice %arg12[%add3A_32, %dma_wait3A_48] : memref<10240x64xf32, #tpu.memory_space<vmem_shared>> -> memref<160x64xf32, #tpu.memory_space<vmem_shared>>
      %dma_wait3A_50 = arith.constant 0 : i32
      %dma_wait3A_51 = tpu.memref_slice %arg12[%add3A_32, %dma_wait3A_50] : memref<10240x64xf32, #tpu.memory_space<vmem_shared>> -> memref<160x64xf32, #tpu.memory_space<vmem_shared>>
      tpu.wait_dma2 semaphore(%run_scoped3A_43 : memref<!tpu.dma_semaphore, #tpu.memory_space<semaphore_mem>>) src(%dma_wait3A_51 : memref<160x64xf32, #tpu.memory_space<vmem_shared>>) dst(%arg11 : memref<160x64xf32, #tpu.memory_space<vmem>>)
      tpu.yield
    }) : () -> ()
    %add3A_33 = arith.constant 160 : i32
    %add3A_34 = arith.addi %mul3A_0, %add3A_33 : i32
    "tpu.region"() ({
      %run_scoped3A_43 = tpu.sem_alloc : memref<!tpu.dma_semaphore, #tpu.memory_space<semaphore_mem>>
      %dma_start3A_44 = arith.constant 0 : i32
      %dma_start3A_45 = tpu.memref_slice %arg6[%arg0, %add3A_34, %dma_start3A_44] : memref<2x10240x64xf32, #tpu.memory_space<hbm>> -> memref<1x160x64xf32, #tpu.memory_space<hbm>>
      %dma_start3A_46 = tpu.memref_squeeze %dma_start3A_45 : memref<1x160x64xf32, #tpu.memory_space<hbm>> -> memref<160x64xf32, #tpu.memory_space<hbm>>
      %dma_start3A_47 = arith.constant 0 : i32
      %dma_start3A_48 = tpu.memref_slice %arg6[%arg0, %add3A_34, %dma_start3A_47] : memref<2x10240x64xf32, #tpu.memory_space<hbm>> -> memref<1x160x64xf32, #tpu.memory_space<hbm>>
      %dma_start3A_49 = tpu.memref_squeeze %dma_start3A_48 : memref<1x160x64xf32, #tpu.memory_space<hbm>> -> memref<160x64xf32, #tpu.memory_space<hbm>>
      tpu.enqueue_dma source(%arg11 : memref<160x64xf32, #tpu.memory_space<vmem>>) target(%dma_start3A_49 : memref<160x64xf32, #tpu.memory_space<hbm>>) target_semaphore(%run_scoped3A_43 : memref<!tpu.dma_semaphore, #tpu.memory_space<semaphore_mem>>)
      %dma_wait3A_50 = arith.constant 0 : i32
      %dma_wait3A_51 = tpu.memref_slice %arg6[%arg0, %add3A_34, %dma_wait3A_50] : memref<2x10240x64xf32, #tpu.memory_space<hbm>> -> memref<1x160x64xf32, #tpu.memory_space<hbm>>
      %dma_wait3A_52 = tpu.memref_squeeze %dma_wait3A_51 : memref<1x160x64xf32, #tpu.memory_space<hbm>> -> memref<160x64xf32, #tpu.memory_space<hbm>>
      %dma_wait3A_53 = arith.constant 0 : i32
      %dma_wait3A_54 = tpu.memref_slice %arg6[%arg0, %add3A_34, %dma_wait3A_53] : memref<2x10240x64xf32, #tpu.memory_space<hbm>> -> memref<1x160x64xf32, #tpu.memory_space<hbm>>
      %dma_wait3A_55 = tpu.memref_squeeze %dma_wait3A_54 : memref<1x160x64xf32, #tpu.memory_space<hbm>> -> memref<160x64xf32, #tpu.memory_space<hbm>>
      tpu.wait_dma2 semaphore(%run_scoped3A_43 : memref<!tpu.dma_semaphore, #tpu.memory_space<semaphore_mem>>) src(%arg11 : memref<160x64xf32, #tpu.memory_space<vmem>>) dst(%dma_wait3A_55 : memref<160x64xf32, #tpu.memory_space<hbm>>)
      tpu.yield
    }) : () -> ()
    %add3A_35 = arith.constant 320 : i32
    %add3A_36 = arith.addi %mul3A_0, %add3A_35 : i32
    "tpu.region"() ({
      %run_scoped3A_43 = tpu.sem_alloc : memref<!tpu.dma_semaphore, #tpu.memory_space<semaphore_mem>>
      %dma_start3A_44 = arith.constant 0 : i32
      %dma_start3A_45 = tpu.memref_slice %arg12[%add3A_36, %dma_start3A_44] : memref<10240x64xf32, #tpu.memory_space<vmem_shared>> -> memref<160x64xf32, #tpu.memory_space<vmem_shared>>
      %dma_start3A_46 = arith.constant 0 : i32
      %dma_start3A_47 = tpu.memref_slice %arg12[%add3A_36, %dma_start3A_46] : memref<10240x64xf32, #tpu.memory_space<vmem_shared>> -> memref<160x64xf32, #tpu.memory_space<vmem_shared>>
      tpu.enqueue_dma source(%dma_start3A_47 : memref<160x64xf32, #tpu.memory_space<vmem_shared>>) target(%arg11 : memref<160x64xf32, #tpu.memory_space<vmem>>) target_semaphore(%run_scoped3A_43 : memref<!tpu.dma_semaphore, #tpu.memory_space<semaphore_mem>>)
      %dma_wait3A_48 = arith.constant 0 : i32
      %dma_wait3A_49 = tpu.memref_slice %arg12[%add3A_36, %dma_wait3A_48] : memref<10240x64xf32, #tpu.memory_space<vmem_shared>> -> memref<160x64xf32, #tpu.memory_space<vmem_shared>>
      %dma_wait3A_50 = arith.constant 0 : i32
      %dma_wait3A_51 = tpu.memref_slice %arg12[%add3A_36, %dma_wait3A_50] : memref<10240x64xf32, #tpu.memory_space<vmem_shared>> -> memref<160x64xf32, #tpu.memory_space<vmem_shared>>
      tpu.wait_dma2 semaphore(%run_scoped3A_43 : memref<!tpu.dma_semaphore, #tpu.memory_space<semaphore_mem>>) src(%dma_wait3A_51 : memref<160x64xf32, #tpu.memory_space<vmem_shared>>) dst(%arg11 : memref<160x64xf32, #tpu.memory_space<vmem>>)
      tpu.yield
    }) : () -> ()
    %add3A_37 = arith.constant 320 : i32
    %add3A_38 = arith.addi %mul3A_0, %add3A_37 : i32
    "tpu.region"() ({
      %run_scoped3A_43 = tpu.sem_alloc : memref<!tpu.dma_semaphore, #tpu.memory_space<semaphore_mem>>
      %dma_start3A_44 = arith.constant 0 : i32
      %dma_start3A_45 = tpu.memref_slice %arg6[%arg0, %add3A_38, %dma_start3A_44] : memref<2x10240x64xf32, #tpu.memory_space<hbm>> -> memref<1x160x64xf32, #tpu.memory_space<hbm>>
      %dma_start3A_46 = tpu.memref_squeeze %dma_start3A_45 : memref<1x160x64xf32, #tpu.memory_space<hbm>> -> memref<160x64xf32, #tpu.memory_space<hbm>>
      %dma_start3A_47 = arith.constant 0 : i32
      %dma_start3A_48 = tpu.memref_slice %arg6[%arg0, %add3A_38, %dma_start3A_47] : memref<2x10240x64xf32, #tpu.memory_space<hbm>> -> memref<1x160x64xf32, #tpu.memory_space<hbm>>
      %dma_start3A_49 = tpu.memref_squeeze %dma_start3A_48 : memref<1x160x64xf32, #tpu.memory_space<hbm>> -> memref<160x64xf32, #tpu.memory_space<hbm>>
      tpu.enqueue_dma source(%arg11 : memref<160x64xf32, #tpu.memory_space<vmem>>) target(%dma_start3A_49 : memref<160x64xf32, #tpu.memory_space<hbm>>) target_semaphore(%run_scoped3A_43 : memref<!tpu.dma_semaphore, #tpu.memory_space<semaphore_mem>>)
      %dma_wait3A_50 = arith.constant 0 : i32
      %dma_wait3A_51 = tpu.memref_slice %arg6[%arg0, %add3A_38, %dma_wait3A_50] : memref<2x10240x64xf32, #tpu.memory_space<hbm>> -> memref<1x160x64xf32, #tpu.memory_space<hbm>>
      %dma_wait3A_52 = tpu.memref_squeeze %dma_wait3A_51 : memref<1x160x64xf32, #tpu.memory_space<hbm>> -> memref<160x64xf32, #tpu.memory_space<hbm>>
      %dma_wait3A_53 = arith.constant 0 : i32
      %dma_wait3A_54 = tpu.memref_slice %arg6[%arg0, %add3A_38, %dma_wait3A_53] : memref<2x10240x64xf32, #tpu.memory_space<hbm>> -> memref<1x160x64xf32, #tpu.memory_space<hbm>>
      %dma_wait3A_55 = tpu.memref_squeeze %dma_wait3A_54 : memref<1x160x64xf32, #tpu.memory_space<hbm>> -> memref<160x64xf32, #tpu.memory_space<hbm>>
      tpu.wait_dma2 semaphore(%run_scoped3A_43 : memref<!tpu.dma_semaphore, #tpu.memory_space<semaphore_mem>>) src(%arg11 : memref<160x64xf32, #tpu.memory_space<vmem>>) dst(%dma_wait3A_55 : memref<160x64xf32, #tpu.memory_space<hbm>>)
      tpu.yield
    }) : () -> ()
    %add3A_39 = arith.constant 480 : i32
    %add3A_40 = arith.addi %mul3A_0, %add3A_39 : i32
    "tpu.region"() ({
      %run_scoped3A_43 = tpu.sem_alloc : memref<!tpu.dma_semaphore, #tpu.memory_space<semaphore_mem>>
      %dma_start3A_44 = arith.constant 0 : i32
      %dma_start3A_45 = tpu.memref_slice %arg12[%add3A_40, %dma_start3A_44] : memref<10240x64xf32, #tpu.memory_space<vmem_shared>> -> memref<160x64xf32, #tpu.memory_space<vmem_shared>>
      %dma_start3A_46 = arith.constant 0 : i32
      %dma_start3A_47 = tpu.memref_slice %arg12[%add3A_40, %dma_start3A_46] : memref<10240x64xf32, #tpu.memory_space<vmem_shared>> -> memref<160x64xf32, #tpu.memory_space<vmem_shared>>
      tpu.enqueue_dma source(%dma_start3A_47 : memref<160x64xf32, #tpu.memory_space<vmem_shared>>) target(%arg11 : memref<160x64xf32, #tpu.memory_space<vmem>>) target_semaphore(%run_scoped3A_43 : memref<!tpu.dma_semaphore, #tpu.memory_space<semaphore_mem>>)
      %dma_wait3A_48 = arith.constant 0 : i32
      %dma_wait3A_49 = tpu.memref_slice %arg12[%add3A_40, %dma_wait3A_48] : memref<10240x64xf32, #tpu.memory_space<vmem_shared>> -> memref<160x64xf32, #tpu.memory_space<vmem_shared>>
      %dma_wait3A_50 = arith.constant 0 : i32
      %dma_wait3A_51 = tpu.memref_slice %arg12[%add3A_40, %dma_wait3A_50] : memref<10240x64xf32, #tpu.memory_space<vmem_shared>> -> memref<160x64xf32, #tpu.memory_space<vmem_shared>>
      tpu.wait_dma2 semaphore(%run_scoped3A_43 : memref<!tpu.dma_semaphore, #tpu.memory_space<semaphore_mem>>) src(%dma_wait3A_51 : memref<160x64xf32, #tpu.memory_space<vmem_shared>>) dst(%arg11 : memref<160x64xf32, #tpu.memory_space<vmem>>)
      tpu.yield
    }) : () -> ()
    %add3A_41 = arith.constant 480 : i32
    %add3A_42 = arith.addi %mul3A_0, %add3A_41 : i32
    "tpu.region"() ({
      %run_scoped3A_43 = tpu.sem_alloc : memref<!tpu.dma_semaphore, #tpu.memory_space<semaphore_mem>>
      %dma_start3A_44 = arith.constant 0 : i32
      %dma_start3A_45 = tpu.memref_slice %arg6[%arg0, %add3A_42, %dma_start3A_44] : memref<2x10240x64xf32, #tpu.memory_space<hbm>> -> memref<1x160x64xf32, #tpu.memory_space<hbm>>
      %dma_start3A_46 = tpu.memref_squeeze %dma_start3A_45 : memref<1x160x64xf32, #tpu.memory_space<hbm>> -> memref<160x64xf32, #tpu.memory_space<hbm>>
      %dma_start3A_47 = arith.constant 0 : i32
      %dma_start3A_48 = tpu.memref_slice %arg6[%arg0, %add3A_42, %dma_start3A_47] : memref<2x10240x64xf32, #tpu.memory_space<hbm>> -> memref<1x160x64xf32, #tpu.memory_space<hbm>>
      %dma_start3A_49 = tpu.memref_squeeze %dma_start3A_48 : memref<1x160x64xf32, #tpu.memory_space<hbm>> -> memref<160x64xf32, #tpu.memory_space<hbm>>
      tpu.enqueue_dma source(%arg11 : memref<160x64xf32, #tpu.memory_space<vmem>>) target(%dma_start3A_49 : memref<160x64xf32, #tpu.memory_space<hbm>>) target_semaphore(%run_scoped3A_43 : memref<!tpu.dma_semaphore, #tpu.memory_space<semaphore_mem>>)
      %dma_wait3A_50 = arith.constant 0 : i32
      %dma_wait3A_51 = tpu.memref_slice %arg6[%arg0, %add3A_42, %dma_wait3A_50] : memref<2x10240x64xf32, #tpu.memory_space<hbm>> -> memref<1x160x64xf32, #tpu.memory_space<hbm>>
      %dma_wait3A_52 = tpu.memref_squeeze %dma_wait3A_51 : memref<1x160x64xf32, #tpu.memory_space<hbm>> -> memref<160x64xf32, #tpu.memory_space<hbm>>
      %dma_wait3A_53 = arith.constant 0 : i32
      %dma_wait3A_54 = tpu.memref_slice %arg6[%arg0, %add3A_42, %dma_wait3A_53] : memref<2x10240x64xf32, #tpu.memory_space<hbm>> -> memref<1x160x64xf32, #tpu.memory_space<hbm>>
      %dma_wait3A_55 = tpu.memref_squeeze %dma_wait3A_54 : memref<1x160x64xf32, #tpu.memory_space<hbm>> -> memref<160x64xf32, #tpu.memory_space<hbm>>
      tpu.wait_dma2 semaphore(%run_scoped3A_43 : memref<!tpu.dma_semaphore, #tpu.memory_space<semaphore_mem>>) src(%arg11 : memref<160x64xf32, #tpu.memory_space<vmem>>) dst(%dma_wait3A_55 : memref<160x64xf32, #tpu.memory_space<hbm>>)
      tpu.yield
    }) : () -> ()
    return
  }
}

module attributes {stable_mosaic.version = 14 : i64} {
  func.func @body(%arg0: i32, %arg1: memref<1000x128xf32, #tpu.memory_space<vmem>>, %arg2: memref<128x128xf32, #tpu.memory_space<vmem>>, %arg3: memref<2x1000x16xf32, #tpu.memory_space<vmem>>, %arg4: memref<2x1000x64xf32, #tpu.memory_space<vmem>>) attributes {dimension_semantics = [#tpu.dimension_semantics<arbitrary>], iteration_bounds = array<i64: 10>, scalar_prefetch = 0 : i64, scratch_operands = 0 : i64, tpu.core_type = #tpu.core_type<tc>, window_params = [{transform_indices = @transform_0, window_bounds = array<i64: 1000, 128>}, {pipeline_mode = #tpu.pipeline_mode<synchronous>, transform_indices = @transform_1, window_bounds = array<i64: 128, 128>}, {transform_indices = @transform_2, window_bounds = array<i64: 2, 1000, 16>}, {transform_indices = @transform_3, window_bounds = array<i64: 2, 1000, 64>}]} {
    %get3A = arith.constant 0 : index
    %get3A_0 = arith.constant 0 : index
    %get3A_1 = arith.constant 0 : index
    %get3A_2 = vector.load %arg3[%get3A, %get3A_0, %get3A_1] : memref<2x1000x16xf32, #tpu.memory_space<vmem>>, vector<1x1000x1xf32>
    %get3A_3 = vector.shape_cast %get3A_2 : vector<1x1000x1xf32> to vector<1000x1xf32>
    %get3A_4 = arith.constant 1 : index
    %get3A_5 = arith.constant 0 : index
    %get3A_6 = arith.constant 0 : index
    %get3A_7 = vector.load %arg3[%get3A_4, %get3A_5, %get3A_6] : memref<2x1000x16xf32, #tpu.memory_space<vmem>>, vector<1x1000x1xf32>
    %get3A_8 = vector.shape_cast %get3A_7 : vector<1x1000x1xf32> to vector<1000x1xf32>
    %add3A = arith.addf %get3A_3, %get3A_8 : vector<1000x1xf32>
    %add3A_9 = arith.constant 1.000000e+00 : f32
    %add3A_10 = vector.broadcast %add3A_9 : f32 to vector<1000x1xf32>
    %add3A_11 = arith.addf %add3A, %add3A_10 : vector<1000x1xf32>
    %rsqrt3A = math.rsqrt %add3A_11 : vector<1000x1xf32>
    %get3A_12 = arith.constant 0 : index
    %get3A_13 = arith.constant 0 : index
    %get3A_14 = vector.load %arg1[%get3A_12, %get3A_13] : memref<1000x128xf32, #tpu.memory_space<vmem>>, vector<1000x128xf32>
    %get3A_15 = arith.constant 0 : index
    %get3A_16 = arith.constant 0 : index
    %get3A_17 = vector.load %arg2[%get3A_15, %get3A_16] : memref<128x128xf32, #tpu.memory_space<vmem>>, vector<128x128xf32>
    %dot_general3A = arith.constant dense<0.000000e+00> : vector<1000x128xf32>
    %dot_general3A_18 = tpu.matmul %get3A_14, %get3A_17, %dot_general3A {dimension_numbers = #tpu.dot_dimension_numbers<[1], [0], [0], [1], [0, 0, 1, 1], [], []>, transpose_lhs_hint = false} : vector<1000x128xf32>, vector<128x128xf32>, vector<1000x128xf32> -> vector<1000x128xf32>
    %mul3A = vector.broadcast %rsqrt3A : vector<1000x1xf32> to vector<1000x128xf32>
    %mul3A_19 = arith.mulf %mul3A, %dot_general3A_18 : vector<1000x128xf32>
    %slice3A = vector.extract_strided_slice %mul3A_19 {offsets = [0, 0], sizes = [1000, 64], strides = [1, 1]} : vector<1000x128xf32> to vector<1000x64xf32>
    %swap3A = arith.constant 0 : index
    %swap3A_20 = arith.constant 0 : index
    %swap3A_21 = arith.constant 0 : index
    %swap3A_22 = vector.load %arg4[%swap3A, %swap3A_20, %swap3A_21] : memref<2x1000x64xf32, #tpu.memory_space<vmem>>, vector<1x1000x64xf32>
    %swap3A_23 = vector.shape_cast %swap3A_22 : vector<1x1000x64xf32> to vector<1000x64xf32>
    %swap3A_24 = vector.shape_cast %slice3A : vector<1000x64xf32> to vector<1x1000x64xf32>
    tpu.vector_store %arg4[%swap3A, %swap3A_20, %swap3A_21], %swap3A_24 {strides = array<i32>} : memref<2x1000x64xf32, #tpu.memory_space<vmem>>, vector<1x1000x64xf32>,
    %slice3A_25 = vector.extract_strided_slice %mul3A_19 {offsets = [0, 64], sizes = [1000, 64], strides = [1, 1]} : vector<1000x128xf32> to vector<1000x64xf32>
    %swap3A_26 = arith.constant 1 : index
    %swap3A_27 = arith.constant 0 : index
    %swap3A_28 = arith.constant 0 : index
    %swap3A_29 = vector.load %arg4[%swap3A_26, %swap3A_27, %swap3A_28] : memref<2x1000x64xf32, #tpu.memory_space<vmem>>, vector<1x1000x64xf32>
    %swap3A_30 = vector.shape_cast %swap3A_29 : vector<1x1000x64xf32> to vector<1000x64xf32>
    %swap3A_31 = vector.shape_cast %slice3A_25 : vector<1000x64xf32> to vector<1x1000x64xf32>
    tpu.vector_store %arg4[%swap3A_26, %swap3A_27, %swap3A_28], %swap3A_31 {strides = array<i32>} : memref<2x1000x64xf32, #tpu.memory_space<vmem>>, vector<1x1000x64xf32>,
    return
  }
  func.func @transform_0(%arg0: i32) -> (i32, i32) {
    %c0_i32 = arith.constant 0 : i32
    %c0_i32_0 = arith.constant 0 : i32
    return %arg0, %c0_i32 : i32, i32
  }
  func.func @transform_1(%arg0: i32) -> (i32, i32) {
    %c0_i32 = arith.constant 0 : i32
    %c0_i32_0 = arith.constant 0 : i32
    %c0_i32_1 = arith.constant 0 : i32
    return %c0_i32, %c0_i32_0 : i32, i32
  }
  func.func @transform_2(%arg0: i32) -> (i32, i32, i32) {
    %c0_i32 = arith.constant 0 : i32
    %c0_i32_0 = arith.constant 0 : i32
    %c0_i32_1 = arith.constant 0 : i32
    return %c0_i32, %arg0, %c0_i32_0 : i32, i32, i32
  }
  func.func @transform_3(%arg0: i32) -> (i32, i32, i32) {
    %c0_i32 = arith.constant 0 : i32
    %c0_i32_0 = arith.constant 0 : i32
    %c0_i32_1 = arith.constant 0 : i32
    return %c0_i32, %arg0, %c0_i32_0 : i32, i32, i32
  }
}

module attributes {stable_mosaic.version = 14 : i64} {
  func.func @body(%arg0: i32, %arg1: memref<2x1000x64xf32, #tpu.memory_space<vmem>>, %arg2: memref<2x1000x64xf32, #tpu.memory_space<vmem>>, %arg3: memref<2x1000x16xf32, #tpu.memory_space<vmem>>, %arg4: memref<1x128xf32, #tpu.memory_space<vmem>>, %arg5: memref<128x128xf32, #tpu.memory_space<vmem>>, %arg6: memref<2x1000x64xf32, #tpu.memory_space<vmem>>) attributes {dimension_semantics = [#tpu.dimension_semantics<arbitrary>], iteration_bounds = array<i64: 10>, scalar_prefetch = 0 : i64, scratch_operands = 0 : i64, tpu.core_type = #tpu.core_type<tc>, window_params = [{transform_indices = @transform_0, window_bounds = array<i64: 2, 1000, 64>}, {transform_indices = @transform_1, window_bounds = array<i64: 2, 1000, 64>}, {transform_indices = @transform_2, window_bounds = array<i64: 2, 1000, 16>}, {pipeline_mode = #tpu.pipeline_mode<synchronous>, transform_indices = @transform_3, window_bounds = array<i64: 1, 128>}, {pipeline_mode = #tpu.pipeline_mode<synchronous>, transform_indices = @transform_4, window_bounds = array<i64: 128, 128>}, {transform_indices = @transform_5, window_bounds = array<i64: 2, 1000, 64>}]} {
    %get3A = arith.constant 0 : index
    %get3A_0 = arith.constant 0 : index
    %get3A_1 = arith.constant 0 : index
    %get3A_2 = vector.load %arg3[%get3A, %get3A_0, %get3A_1] : memref<2x1000x16xf32, #tpu.memory_space<vmem>>, vector<1x1000x1xf32>
    %get3A_3 = vector.shape_cast %get3A_2 : vector<1x1000x1xf32> to vector<1000x1xf32>
    %get3A_4 = arith.constant 1 : index
    %get3A_5 = arith.constant 0 : index
    %get3A_6 = arith.constant 0 : index
    %get3A_7 = vector.load %arg3[%get3A_4, %get3A_5, %get3A_6] : memref<2x1000x16xf32, #tpu.memory_space<vmem>>, vector<1x1000x1xf32>
    %get3A_8 = vector.shape_cast %get3A_7 : vector<1x1000x1xf32> to vector<1000x1xf32>
    %add3A = arith.addf %get3A_3, %get3A_8 : vector<1000x1xf32>
    %add3A_9 = arith.constant 1.000000e+00 : f32
    %add3A_10 = vector.broadcast %add3A_9 : f32 to vector<1000x1xf32>
    %add3A_11 = arith.addf %add3A, %add3A_10 : vector<1000x1xf32>
    %rsqrt3A = math.rsqrt %add3A_11 : vector<1000x1xf32>
    %get3A_12 = arith.constant 0 : index
    %get3A_13 = arith.constant 0 : index
    %get3A_14 = arith.constant 0 : index
    %get3A_15 = vector.load %arg1[%get3A_12, %get3A_13, %get3A_14] : memref<2x1000x64xf32, #tpu.memory_space<vmem>>, vector<1x1000x64xf32>
    %get3A_16 = vector.shape_cast %get3A_15 : vector<1x1000x64xf32> to vector<1000x64xf32>
    %get3A_17 = arith.constant 0 : index
    %get3A_18 = arith.constant 0 : index
    %get3A_19 = arith.constant 0 : index
    %get3A_20 = vector.load %arg2[%get3A_17, %get3A_18, %get3A_19] : memref<2x1000x64xf32, #tpu.memory_space<vmem>>, vector<1x1000x64xf32>
    %get3A_21 = vector.shape_cast %get3A_20 : vector<1x1000x64xf32> to vector<1000x64xf32>
    %add3A_22 = arith.addf %get3A_16, %get3A_21 : vector<1000x64xf32>
    %get3A_23 = arith.constant 1 : index
    %get3A_24 = arith.constant 0 : index
    %get3A_25 = arith.constant 0 : index
    %get3A_26 = vector.load %arg1[%get3A_23, %get3A_24, %get3A_25] : memref<2x1000x64xf32, #tpu.memory_space<vmem>>, vector<1x1000x64xf32>
    %get3A_27 = vector.shape_cast %get3A_26 : vector<1x1000x64xf32> to vector<1000x64xf32>
    %get3A_28 = arith.constant 1 : index
    %get3A_29 = arith.constant 0 : index
    %get3A_30 = arith.constant 0 : index
    %get3A_31 = vector.load %arg2[%get3A_28, %get3A_29, %get3A_30] : memref<2x1000x64xf32, #tpu.memory_space<vmem>>, vector<1x1000x64xf32>
    %get3A_32 = vector.shape_cast %get3A_31 : vector<1x1000x64xf32> to vector<1000x64xf32>
    %add3A_33 = arith.addf %get3A_27, %get3A_32 : vector<1000x64xf32>
    %concatenate3A = tpu.concatenate %add3A_22, %add3A_33 in 1 : vector<1000x64xf32>, vector<1000x64xf32> -> vector<1000x128xf32>
    %mul3A = vector.broadcast %rsqrt3A : vector<1000x1xf32> to vector<1000x128xf32>
    %mul3A_34 = arith.mulf %mul3A, %concatenate3A : vector<1000x128xf32>
    %get3A_35 = arith.constant 0 : index
    %get3A_36 = arith.constant 0 : index
    %get3A_37 = vector.load %arg4[%get3A_35, %get3A_36] : memref<1x128xf32, #tpu.memory_space<vmem>>, vector<1x128xf32>
    %add3A_38 = vector.broadcast %get3A_37 : vector<1x128xf32> to vector<1000x128xf32>
    %add3A_39 = arith.addf %mul3A_34, %add3A_38 : vector<1000x128xf32>
    %max3A = arith.constant 0.000000e+00 : f32
    %max3A_40 = vector.broadcast %max3A : f32 to vector<1000x128xf32>
    %max3A_41 = arith.maximumf %add3A_39, %max3A_40 : vector<1000x128xf32>
    %get3A_42 = arith.constant 0 : index
    %get3A_43 = arith.constant 0 : index
    %get3A_44 = vector.load %arg5[%get3A_42, %get3A_43] : memref<128x128xf32, #tpu.memory_space<vmem>>, vector<128x128xf32>
    %dot_general3A = arith.constant dense<0.000000e+00> : vector<1000x128xf32>
    %dot_general3A_45 = tpu.matmul %max3A_41, %get3A_44, %dot_general3A {dimension_numbers = #tpu.dot_dimension_numbers<[1], [0], [0], [1], [0, 0, 1, 1], [], []>, transpose_lhs_hint = false} : vector<1000x128xf32>, vector<128x128xf32>, vector<1000x128xf32> -> vector<1000x128xf32>
    %mul3A_46 = vector.broadcast %rsqrt3A : vector<1000x1xf32> to vector<1000x128xf32>
    %mul3A_47 = arith.mulf %mul3A_46, %dot_general3A_45 : vector<1000x128xf32>
    %slice3A = vector.extract_strided_slice %mul3A_47 {offsets = [0, 0], sizes = [1000, 64], strides = [1, 1]} : vector<1000x128xf32> to vector<1000x64xf32>
    %swap3A = arith.constant 0 : index
    %swap3A_48 = arith.constant 0 : index
    %swap3A_49 = arith.constant 0 : index
    %swap3A_50 = vector.load %arg6[%swap3A, %swap3A_48, %swap3A_49] : memref<2x1000x64xf32, #tpu.memory_space<vmem>>, vector<1x1000x64xf32>
    %swap3A_51 = vector.shape_cast %swap3A_50 : vector<1x1000x64xf32> to vector<1000x64xf32>
    %swap3A_52 = vector.shape_cast %slice3A : vector<1000x64xf32> to vector<1x1000x64xf32>
    tpu.vector_store %arg6[%swap3A, %swap3A_48, %swap3A_49], %swap3A_52 {strides = array<i32>} : memref<2x1000x64xf32, #tpu.memory_space<vmem>>, vector<1x1000x64xf32>,
    %slice3A_53 = vector.extract_strided_slice %mul3A_47 {offsets = [0, 64], sizes = [1000, 64], strides = [1, 1]} : vector<1000x128xf32> to vector<1000x64xf32>
    %swap3A_54 = arith.constant 1 : index
    %swap3A_55 = arith.constant 0 : index
    %swap3A_56 = arith.constant 0 : index
    %swap3A_57 = vector.load %arg6[%swap3A_54, %swap3A_55, %swap3A_56] : memref<2x1000x64xf32, #tpu.memory_space<vmem>>, vector<1x1000x64xf32>
    %swap3A_58 = vector.shape_cast %swap3A_57 : vector<1x1000x64xf32> to vector<1000x64xf32>
    %swap3A_59 = vector.shape_cast %slice3A_53 : vector<1000x64xf32> to vector<1x1000x64xf32>
    tpu.vector_store %arg6[%swap3A_54, %swap3A_55, %swap3A_56], %swap3A_59 {strides = array<i32>} : memref<2x1000x64xf32, #tpu.memory_space<vmem>>, vector<1x1000x64xf32>,
    return
  }
  func.func @transform_0(%arg0: i32) -> (i32, i32, i32) {
    %c0_i32 = arith.constant 0 : i32
    %c0_i32_0 = arith.constant 0 : i32
    %c0_i32_1 = arith.constant 0 : i32
    return %c0_i32, %arg0, %c0_i32_0 : i32, i32, i32
  }
  func.func @transform_1(%arg0: i32) -> (i32, i32, i32) {
    %c0_i32 = arith.constant 0 : i32
    %c0_i32_0 = arith.constant 0 : i32
    %c0_i32_1 = arith.constant 0 : i32
    return %c0_i32, %arg0, %c0_i32_0 : i32, i32, i32
  }
  func.func @transform_2(%arg0: i32) -> (i32, i32, i32) {
    %c0_i32 = arith.constant 0 : i32
    %c0_i32_0 = arith.constant 0 : i32
    %c0_i32_1 = arith.constant 0 : i32
    return %c0_i32, %arg0, %c0_i32_0 : i32, i32, i32
  }
  func.func @transform_3(%arg0: i32) -> (i32, i32) {
    %c0_i32 = arith.constant 0 : i32
    %c0_i32_0 = arith.constant 0 : i32
    %c0_i32_1 = arith.constant 0 : i32
    return %c0_i32, %c0_i32_0 : i32, i32
  }
  func.func @transform_4(%arg0: i32) -> (i32, i32) {
    %c0_i32 = arith.constant 0 : i32
    %c0_i32_0 = arith.constant 0 : i32
    %c0_i32_1 = arith.constant 0 : i32
    return %c0_i32, %c0_i32_0 : i32, i32
  }
  func.func @transform_5(%arg0: i32) -> (i32, i32, i32) {
    %c0_i32 = arith.constant 0 : i32
    %c0_i32_0 = arith.constant 0 : i32
    %c0_i32_1 = arith.constant 0 : i32
    return %c0_i32, %arg0, %c0_i32_0 : i32, i32, i32
  }
}

module attributes {stable_mosaic.version = 14 : i64} {
  func.func @body(%arg0: i32, %arg1: memref<2x1000x64xf32, #tpu.memory_space<vmem>>, %arg2: memref<2x1000x64xf32, #tpu.memory_space<vmem>>, %arg3: memref<2x1000x16xf32, #tpu.memory_space<vmem>>, %arg4: memref<1x128xf32, #tpu.memory_space<vmem>>, %arg5: memref<1000x128xf32, #tpu.memory_space<vmem>>) attributes {dimension_semantics = [#tpu.dimension_semantics<arbitrary>], iteration_bounds = array<i64: 10>, scalar_prefetch = 0 : i64, scratch_operands = 0 : i64, tpu.core_type = #tpu.core_type<tc>, window_params = [{transform_indices = @transform_0, window_bounds = array<i64: 2, 1000, 64>}, {transform_indices = @transform_1, window_bounds = array<i64: 2, 1000, 64>}, {transform_indices = @transform_2, window_bounds = array<i64: 2, 1000, 16>}, {pipeline_mode = #tpu.pipeline_mode<synchronous>, transform_indices = @transform_3, window_bounds = array<i64: 1, 128>}, {transform_indices = @transform_4, window_bounds = array<i64: 1000, 128>}]} {
    %get3A = arith.constant 0 : index
    %get3A_0 = arith.constant 0 : index
    %get3A_1 = arith.constant 0 : index
    %get3A_2 = vector.load %arg3[%get3A, %get3A_0, %get3A_1] : memref<2x1000x16xf32, #tpu.memory_space<vmem>>, vector<1x1000x1xf32>
    %get3A_3 = vector.shape_cast %get3A_2 : vector<1x1000x1xf32> to vector<1000x1xf32>
    %get3A_4 = arith.constant 1 : index
    %get3A_5 = arith.constant 0 : index
    %get3A_6 = arith.constant 0 : index
    %get3A_7 = vector.load %arg3[%get3A_4, %get3A_5, %get3A_6] : memref<2x1000x16xf32, #tpu.memory_space<vmem>>, vector<1x1000x1xf32>
    %get3A_8 = vector.shape_cast %get3A_7 : vector<1x1000x1xf32> to vector<1000x1xf32>
    %add3A = arith.addf %get3A_3, %get3A_8 : vector<1000x1xf32>
    %add3A_9 = arith.constant 1.000000e+00 : f32
    %add3A_10 = vector.broadcast %add3A_9 : f32 to vector<1000x1xf32>
    %add3A_11 = arith.addf %add3A, %add3A_10 : vector<1000x1xf32>
    %rsqrt3A = math.rsqrt %add3A_11 : vector<1000x1xf32>
    %get3A_12 = arith.constant 0 : index
    %get3A_13 = arith.constant 0 : index
    %get3A_14 = arith.constant 0 : index
    %get3A_15 = vector.load %arg1[%get3A_12, %get3A_13, %get3A_14] : memref<2x1000x64xf32, #tpu.memory_space<vmem>>, vector<1x1000x64xf32>
    %get3A_16 = vector.shape_cast %get3A_15 : vector<1x1000x64xf32> to vector<1000x64xf32>
    %get3A_17 = arith.constant 0 : index
    %get3A_18 = arith.constant 0 : index
    %get3A_19 = arith.constant 0 : index
    %get3A_20 = vector.load %arg2[%get3A_17, %get3A_18, %get3A_19] : memref<2x1000x64xf32, #tpu.memory_space<vmem>>, vector<1x1000x64xf32>
    %get3A_21 = vector.shape_cast %get3A_20 : vector<1x1000x64xf32> to vector<1000x64xf32>
    %add3A_22 = arith.addf %get3A_16, %get3A_21 : vector<1000x64xf32>
    %get3A_23 = arith.constant 1 : index
    %get3A_24 = arith.constant 0 : index
    %get3A_25 = arith.constant 0 : index
    %get3A_26 = vector.load %arg1[%get3A_23, %get3A_24, %get3A_25] : memref<2x1000x64xf32, #tpu.memory_space<vmem>>, vector<1x1000x64xf32>
    %get3A_27 = vector.shape_cast %get3A_26 : vector<1x1000x64xf32> to vector<1000x64xf32>
    %get3A_28 = arith.constant 1 : index
    %get3A_29 = arith.constant 0 : index
    %get3A_30 = arith.constant 0 : index
    %get3A_31 = vector.load %arg2[%get3A_28, %get3A_29, %get3A_30] : memref<2x1000x64xf32, #tpu.memory_space<vmem>>, vector<1x1000x64xf32>
    %get3A_32 = vector.shape_cast %get3A_31 : vector<1x1000x64xf32> to vector<1000x64xf32>
    %add3A_33 = arith.addf %get3A_27, %get3A_32 : vector<1000x64xf32>
    %concatenate3A = tpu.concatenate %add3A_22, %add3A_33 in 1 : vector<1000x64xf32>, vector<1000x64xf32> -> vector<1000x128xf32>
    %mul3A = vector.broadcast %rsqrt3A : vector<1000x1xf32> to vector<1000x128xf32>
    %mul3A_34 = arith.mulf %mul3A, %concatenate3A : vector<1000x128xf32>
    %get3A_35 = arith.constant 0 : index
    %get3A_36 = arith.constant 0 : index
    %get3A_37 = vector.load %arg4[%get3A_35, %get3A_36] : memref<1x128xf32, #tpu.memory_space<vmem>>, vector<1x128xf32>
    %add3A_38 = vector.broadcast %get3A_37 : vector<1x128xf32> to vector<1000x128xf32>
    %add3A_39 = arith.addf %mul3A_34, %add3A_38 : vector<1000x128xf32>
    %logistic3A = arith.negf %add3A_39 : vector<1000x128xf32>
    %logistic3A_40 = math.exp %logistic3A : vector<1000x128xf32>
    %logistic3A_41 = arith.constant 1.000000e+00 : f32
    %logistic3A_42 = vector.broadcast %logistic3A_41 : f32 to vector<1000x128xf32>
    %logistic3A_43 = arith.addf %logistic3A_42, %logistic3A_40 : vector<1000x128xf32>
    %logistic3A_44 = arith.divf %logistic3A_42, %logistic3A_43 : vector<1000x128xf32>
    %swap3A = arith.constant 0 : index
    %swap3A_45 = arith.constant 0 : index
    %swap3A_46 = vector.load %arg5[%swap3A, %swap3A_45] : memref<1000x128xf32, #tpu.memory_space<vmem>>, vector<1000x128xf32>
    tpu.vector_store %arg5[%swap3A, %swap3A_45], %logistic3A_44 {strides = array<i32>} : memref<1000x128xf32, #tpu.memory_space<vmem>>, vector<1000x128xf32>,
    return
  }
  func.func @transform_0(%arg0: i32) -> (i32, i32, i32) {
    %c0_i32 = arith.constant 0 : i32
    %c0_i32_0 = arith.constant 0 : i32
    %c0_i32_1 = arith.constant 0 : i32
    return %c0_i32, %arg0, %c0_i32_0 : i32, i32, i32
  }
  func.func @transform_1(%arg0: i32) -> (i32, i32, i32) {
    %c0_i32 = arith.constant 0 : i32
    %c0_i32_0 = arith.constant 0 : i32
    %c0_i32_1 = arith.constant 0 : i32
    return %c0_i32, %arg0, %c0_i32_0 : i32, i32, i32
  }
  func.func @transform_2(%arg0: i32) -> (i32, i32, i32) {
    %c0_i32 = arith.constant 0 : i32
    %c0_i32_0 = arith.constant 0 : i32
    %c0_i32_1 = arith.constant 0 : i32
    return %c0_i32, %arg0, %c0_i32_0 : i32, i32, i32
  }
  func.func @transform_3(%arg0: i32) -> (i32, i32) {
    %c0_i32 = arith.constant 0 : i32
    %c0_i32_0 = arith.constant 0 : i32
    %c0_i32_1 = arith.constant 0 : i32
    return %c0_i32, %c0_i32_0 : i32, i32
  }
  func.func @transform_4(%arg0: i32) -> (i32, i32) {
    %c0_i32 = arith.constant 0 : i32
    %c0_i32_0 = arith.constant 0 : i32
    return %arg0, %c0_i32 : i32, i32
  }
}

</mosaic_0001>

<sc_bundles>
// kernel: kernel.11.cloned.1.call-start
scs
__scs_entry_jumppad:
0x0: {  	(pc) =	sbr.rel $0x88, $3  }
0x1: {  	(tag) =	ssettag $0x0;
	lr =	simm.s32 $0x1  }
0x2: {  	[smem:$0x3F9B] =	sst lr;
	_ =	strace $0xD0000000  }
0x3: {  	_ = 	snop  }
0x4: {  	_ = 	snop  }
0x5: {  	_ = 	snop  }
0x6: {  	_ = 	snop  }
0x7: {  	_ = 	snop  }
__scs_overlays_trampoline_lowered:
0x8: {  	[smem:$0x3FAA] =	sst s0  }
0x9: {  	[smem:$0x3FAB] =	sst s1  }
0xa: {  	[smem:$0x3FAC] =	sst s2  }
0xb: {  	[smem:$0x3FAD] =	sst s3  }
0xc: {  	[smem:$0x3FAE] =	sst s4  }
0xd: {  	[smem:$0x3FAF] =	sst s5  }
0xe: {  	[smem:$0x3FB0] =	sst s6  }
0xf: {  	[smem:$0x3FB1] =	sst s7  }
0x10: {  	[smem:$0x3FB2] =	sst s8  }
0x11: {  	[smem:$0x3FB3] =	sst s9;
	s0 =	simm.s32 @!p0 $0x0  }
0x12: {  	s1 =	sld [smem:$0x3F99];
	s0 =	simm.s32 @p0 $0x1  }
0x13: {  	[smem:$0x3FB4] =	sst s0;
	s0 =	simm.s32 @!p1 $0x0  }
0x14: {  	s2 =	sld [smem:$0x3F98];
	s0 =	simm.s32 @p1 $0x1  }
0x15: {  	[smem:$0x3FB5] =	sst s0;
	s0 =	simm.s32 @!p2 $0x0  }
0x16: {  	s3 =	sld [smem:$0x3FDB];
	s0 =	simm.s32 @p2 $0x1  }
0x17: {  	s4 =	simm.s32 $0x1BF5;
	[smem:$0x3FB7] =	sst s0  }
0x18: {  	s0 =	sld [smem:$0x3F9A];
	_ =	swait.ge [sflag:s4], $0x0  }
0x19: {  	s7 =	sld [smem:$0x3F9B]  }
0x1a: {  	s8 =	sadd.s32 $0xFFFFE003, lr  }
0x1b: {  	s9 =	sadd.s32 $0xFFFFFEF7, lr;
	s5 =	simm.s32 $0xFFFFFFFF;
	p2 =	slt.u32 s8, $0xFFFFF086  }
0x1c: {  	p1 =	slt.u32 s9, $0xF7A;
	s5 =	simm.s32 @!p2 $0x0  }
0x1d: {  	s5 =	simm.s32 @p1 $0x1;
	p0 =	seq.s32 s7, s2  }
0x1e: {  	s7 =	smul.u32 @!p0 $0xF7A, s2;
	p2 =	seq.s32 @!p0 s5, $0x0  }
0x1f: {  	s9 =	smul.u32 $0xF7A, s1;
	s8 =	simm.s32 @!p0 $0x1BF5;
	p2 =	por !p2, p0  }
0x20: {  	[sflag:s8] =	ssyncset.s32 @!p0 $0xFFFFF086;
	s6 =	sadd.s32 @!p0 s3, s7;
	s7 =	simm.s32 @!p0 $0x108  }
0x21: {  	s3 =	sadd.s32 s3, s9;
	s6 =	sadd.s32 @!p0 $0x88, s6;
	s7 =	simm.s32 @p2 $0x1082  }
0x22: {  	[simem:s7], [sflag:s8] =	dma.local @!p0 [hbm:s6], $0xF7A  }
0x23: {  	s9 =	sor.u32 $0xD0000000, s2;
	s6 =	simm.s32 $0x108;
	_ =	swait.ge @!p0 [sflag:s8], $0x0  }
0x24: {  	s3 =	sadd.s32 $0x88, s3;
	s6 =	simm.s32 @!p1 $0x1082;
	[sflag:s4] =	ssyncset.s32 $0xFFFFF086  }
0x25: {  	[simem:s6], [sflag:s4] =	dma.local [hbm:s3], $0xF7A  }
0x26: {  	[smem:$0x3F9B] =	sst s1;
	(tag) =	ssettag s2;
	_ =	strace s9  }
0x27: {  	s1 =	sld [smem:$0x3FAB]  }
0x28: {  	s2 =	sld [smem:$0x3FAC]  }
0x29: {  	s4 =	sld [smem:$0x3FAE]  }
0x2a: {  	p0 =	seq.s32 s5, $0x0;
	s5 =	sld [smem:$0x3FAF]  }
0x2b: {  	s6 =	sld [smem:$0x3FB0]  }
0x2c: {  	s7 =	sld [smem:$0x3FB1]  }
0x2d: {  	s3 =	simm.s32 $0x108;
	s8 =	sld [smem:$0x3FB2]  }
0x2e: {  	s3 =	simm.s32 @!p0 $0x1082;
	s9 =	sld [smem:$0x3FB3]  }
0x2f: {  	lr =	sadd.s32 s0, s3;
	s0 =	sld [smem:$0x3FAA]  }
0x30: {  	s3 =	sld [smem:$0x3FAD]  }
0x31: {  	[smem:$0x3FB6] =	sst s10  }
0x32: {  	s10 =	sld [smem:$0x3FB4];
	_ =	sdelay $0x3  }
0x33: {  	p0 =	seq.s32 s10, $0x1;
	s10 =	sld [smem:$0x3FB6];
	_ =	sdelay $0x3  }
0x34: {  	[smem:$0x3FB6] =	sst s10  }
0x35: {  	s10 =	sld [smem:$0x3FB5];
	_ =	sdelay $0x3  }
0x36: {  	p1 =	seq.s32 s10, $0x1;
	s10 =	sld [smem:$0x3FB6];
	_ =	sdelay $0x3  }
0x37: {  	[smem:$0x3FB6] =	sst s10  }
0x38: {  	s10 =	sld [smem:$0x3FB7]  }
0x39: {  	_ = 	snop;
	(pc) =	sbr.ind lr, $3  }
0x3a: {  	_ = 	snop  }
0x3b: {  	_ = 	snop  }
0x3c: {  	p2 =	seq.s32 s10, $0x1;
	s10 =	sld [smem:$0x3FB6]  }
0x3d: {  	_ =	shalt  }
0x3e: {  	_ =	shalt  }
0x3f: {  	_ =	shalt  }
0x40: {  	_ =	shalt  }
0x41: {  	_ =	shalt  }
0x42: {  	_ =	shalt  }
0x43: {  	_ =	shalt  }
0x44: {  	_ =	shalt  }
0x45: {  	_ =	shalt  }
0x46: {  	_ =	shalt  }
0x47: {  	_ =	shalt  }
0x48: {  	_ =	shalt  }
0x49: {  	_ =	shalt  }
0x4a: {  	_ =	shalt  }
0x4b: {  	_ =	shalt  }
0x4c: {  	_ =	shalt  }
0x4d: {  	_ =	shalt  }
0x4e: {  	_ =	shalt  }
0x4f: {  	_ =	shalt  }
0x50: {  	_ =	shalt  }
0x51: {  	_ =	shalt  }
0x52: {  	_ =	shalt  }
0x53: {  	_ =	shalt  }
0x54: {  	_ =	shalt  }
0x55: {  	_ =	shalt  }
0x56: {  	_ =	shalt  }
0x57: {  	_ =	shalt  }
0x58: {  	_ =	shalt  }
0x59: {  	_ =	shalt  }
0x5a: {  	_ =	shalt  }
0x5b: {  	_ =	shalt  }
0x5c: {  	_ =	shalt  }
0x5d: {  	_ =	shalt  }
0x5e: {  	_ =	shalt  }
0x5f: {  	_ =	shalt  }
0x60: {  	_ =	shalt  }
0x61: {  	_ =	shalt  }
0x62: {  	_ =	shalt  }
0x63: {  	_ =	shalt  }
0x64: {  	_ =	shalt  }
0x65: {  	_ =	shalt  }
0x66: {  	_ =	shalt  }
0x67: {  	_ =	shalt  }
0x68: {  	_ =	shalt  }
0x69: {  	_ =	shalt  }
0x6a: {  	_ =	shalt  }
0x6b: {  	_ =	shalt  }
0x6c: {  	_ =	shalt  }
0x6d: {  	_ =	shalt  }
0x6e: {  	_ =	shalt  }
0x6f: {  	_ =	shalt  }
0x70: {  	_ =	shalt  }
0x71: {  	_ =	shalt  }
0x72: {  	_ =	shalt  }
0x73: {  	_ =	shalt  }
0x74: {  	_ =	shalt  }
0x75: {  	_ =	shalt  }
0x76: {  	_ =	shalt  }
0x77: {  	_ =	shalt  }
0x78: {  	_ =	shalt  }
0x79: {  	_ =	shalt  }
0x7a: {  	_ =	shalt  }
0x7b: {  	_ =	shalt  }
0x7c: {  	_ =	shalt  }
0x7d: {  	_ =	shalt  }
0x7e: {  	_ =	shalt  }
0x7f: {  	_ =	shalt  }
0x80: {  	_ =	shalt  }
0x81: {  	_ =	shalt  }
0x82: {  	_ =	shalt  }
0x83: {  	_ =	shalt  }
0x84: {  	_ =	shalt  }
0x85: {  	_ =	shalt  }
0x86: {  	_ =	shalt  }
0x87: {  	_ =	shalt  }
.Lfunc_end0:
.L_simem_size_0:
called_computation.1_lowered:
.L_overlay_start_0:
0x88: {  	s2 =	sld [smem:$0x3FD9]  }
0x89: {  	s3 =	sld [smem:$0x3FFE];
	_ =	sdelay $0x1  }
0x8a: {  	s1 =	srdreg.scid  }
0x8b: {  	s0 =	sand.u32 $0x1, s1  }
0x8c: {  	s17 =	sshll.u32 s0, $0xA;
	s2 =	sadd.s32 s3, s2  }
0x8d: {  	s2 =	sadd.s32 s2, s17  }
0x8e: {  	[smem:$0x3FC2] =	sst s2  }
0x8f: {  	_ = 	snop  }
0x90: {  	s2 =	sld [smem:$0x3FD0];
	(tm) =	ssettm $0x1  }
0x91: {  	s18 =	sld [smem:$0x3FFB];
	_ =	sdelay $0x3  }
0x92: {  	_ =	strace s18  }
0x93: {  	s3 =	sld [smem:$0x3FFC];
	_ =	sdelay $0x3  }
0x94: {  	_ =	strace s3  }
0x95: {  	s3 =	sld [smem:$0x3FFD];
	_ =	sdelay $0x3  }
0x96: {  	_ =	strace s3  }
0x97: {  	_ =	strace $0x8FFFFFFF  }
0x98: {  	s19 =	sld [smem:$0x3FDB];
	_ =	sdelay $0x1  }
0x99: {  	s4 =	simm.s32 $_scs_section_size  }
0x9a: {  	s5 =	simm.s32 $_size__tile_overlayer_lowered;
	s6 =	simm.s32 $_tile_overlayer_lowered  }
0x9b: {  	s22 =	simm.s32 $0x1BFF;
	s21 =	sshll.u32 s6, $0x1;
	s3 =	sadd.s32 s4, s19  }
0x9c: {  	s7 =	simm.s32 $0x0;
	s20 =	sshll.u32 s5, $0x1;
	s5 =	sadd.s32 s21, s3  }
0x9d: {  	[timem:s7], [sflag:s22] =	dma.local [hbm:s5], s20  }
0x9e: {  	_ =	swait.ge [sflag:s22], s20  }
0x9f: {  	s4 =	ssub.s32 $0x0, s20;
	[sflag:s22] =	ssyncset.done $0x0  }
0xa0: {  	[sflag:s22] =	ssyncadd.s32 s4;
	_ =	sdelay $0x1  }
0xa1: {  	s23 =	simm.s32 $0x1B8B  }
0xa2: {  	_ =	swait.ge [sflag:s23], $0x1  }
0xa3: {  	[sflag:s23] =	ssyncset.done $0x0  }
0xa4: {  	s25 =	simm.s32 $0x1B8E;
	s24 =	sld [smem:$0x3FFE];
	[sflag:s23] =	ssyncadd.s32 $0xFFFFFFFF  }
0xa5: {  	s26 =	simm.s32 $execute0_lowered;
	[smem:$0x3FD2] =	sst s25  }
0xa6: {  	s5 =	sshll.u32 s26, $0x1;
	_ =	strace $0x80000049;
	[dreg:$0x1] =	wrdreg $0xFFFFFFFF  }
0xa7: {  	s28 =	simm.s32 $_size_execute0_lowered;
	s3 =	sadd.s32 s3, s5;
	[dreg:$0x0] =	wrdreg $0x0  }
0xa8: {  	s5 =	sshll.u32 s28, $0x1;
	[dreg:$0x2] =	wrdreg s3  }
0xa9: {  	[dreg:$0x3] =	wrdreg s5  }
0xaa: {  	[dreg:$0x4] =	wrdreg $0xC0  }
0xab: {  	_ =	task [dreg:s7], $0x5FFFF  }
0xac: {  	[dreg:$0x1] =	wrdreg $0xFFFFFFFF  }
0xad: {  	[dreg:$0x0] =	wrdreg $0x60  }
0xae: {  	[dreg:$0x2] =	wrdreg s2  }
0xaf: {  	[dreg:$0x3] =	wrdreg s24  }
0xb0: {  	[dreg:$0x4] =	wrdreg $0x105000  }
0xb1: {  	[dreg:$0x5] =	wrdreg $0x9  }
0xb2: {  	_ =	task.clear_ibuf [dreg:s7], $0x6FFFF;
	_ =	strace $0x90000049  }
0xb3: {  	s29 =	simm.s32 $0x9;
	_ =	strace $0x8000004B  }
0xb4: {  	_ =	swait.ge [sflag:s29], $0x1  }
0xb5: {  	[sflag:s29] =	ssyncadd.s32 $0xFFFFFFFF  }
0xb6: {  	_ =	strace $0x9000004B  }
0xb7: {  	_ =	sfence  }
0xb8: {  	s30 =	sld [smem:$0x0];
	_ =	sdelay $0x2  }
0xb9: {  	s31 =	sshll.u32 s1, $0xD;
	s1 =	sshrl.u32 s1, $0x2  }
0xba: {  	s3 =	sand.u32 $0x4000, s31;
	s1 =	sadd.s32 s1, s30  }
0xbb: {  	s0 =	sor.u32 s3, s0;
	s1 =	sshll.u32 s1, $0x11  }
0xbc: {  	s0 =	sor.u32 s1, s0  }
0xbd: {  	s0 =	sadd.s32 $0x8F2B, s0  }
0xbe: {  	[sflag:s0] =	ssyncadd.remote.s32 $0x1  }
0xbf: {  	_ =	sfence.sel $0xFFFF  }
0xc0: {  	[dreg:$0x0] =	wrdreg $0xFFFFFFFF;
	(pc) =	sbr.abs _section_cstart, $3  }
0xc1: {  	[dreg:$0x1] =	wrdreg $0xFFFFFFFF  }
0xc2: {  	_ =	task.clear_ibuf [dreg:s7], $0x2FFFF;
	_ =	strace $0x9FFFFFFF  }
0xc3: {  	(tm) =	ssettm $0x7FFFFFFF  }
tec
execute0_lowered:
.L_overlay_start_1:
0x0: {  	(tag) =	ssettag $0x1  }
0x1: {  	s1 =	rddreg [dreg:$0x0];
	s2 =	srdreg.scid  }
0x2: {  	s0 =	stileid.u32;
	s6 =	rddreg [dreg:$0x1]  }
0x3: {  	s3 =	rddreg [dreg:$0x2];
	s4 =	simm.s32 $0x0;
	s19 =	simm.s32 $0x4E80  }
0x4: {  	s20 =	simm.s32 $0x80;
	s21 =	simm.s32 $0x9D00;
	s22 =	simm.s32 $0xBD00  }
0x5: {  	s23 =	simm.s32 $0x1;
	s24 =	simm.s32 $0x2;
	s25 =	simm.s32 $0x9C80  }
0x6: {  	s26 =	simm.s32 $0x0;
	s7 =	sand.u32 $0x1, s2;
	s5 =	smul.u32 $0x4E80, s0  }
0x7: {  	[smem:$0x7FF] =	sst s4;
	s12 =	smul.u32 $0xA000, s0;
	s15 =	sadd.s32 $0x79200, s6  }
0x8: {  	s8 =	smul.u32 $0x4E800, s7;
	_ =	strace $0x8000004A;
	s30 =	ssub.s32 $0x2, s7  }
0x9: {  	s14 =	smul.u32 $0xA0000, s7;
	s9 =	sshrl.u32 s30, $0x1;
	s13 =	sadd.s32 $0x2800, s12  }
0xa: {  	s17 =	sadd.s32 $0x5000, s12;
	s18 =	sadd.s32 $0x7800, s12;
	s8 =	sadd.s32 s5, s8  }
0xb: {  	s5 =	sshrl.u32 s5, $0x3;
	s16 =	ssub.s32 s30, s9;
	s7 =	sadd.s32 s13, s3  }
0xc: {  	s9 =	sadd.s32 s18, s3;
	s13 =	sadd.s32 s14, s13;
	s18 =	sadd.s32 s14, s18  }
0xd: {  	s8 =	sshrl.u32 s8, $0x3;
	s11 =	sadd.s32 s5, s6;
	s5 =	sadd.s32 $0xB400, s6  }
0xe: {  	s13 =	sshrl.u32 s13, $0x3;
	s31 =	sshrl.u32 s18, $0x3;
	s16 =	smax.u32 s16, $0x1  }
0xf: {  	s18 =	simm.s32 $0x3;
	s10 =	sadd.s32 s8, s6;
	s6 =	sadd.s32 s12, s3  }
0x10: {  	s8 =	sadd.s32 s17, s3;
	s12 =	sadd.s32 s12, s14;
	s11 =	sadd.s32 $0xBA00, s11  }
0x11: {  	s17 =	sadd.s32 s14, s17;
	s13 =	sadd.s32 s15, s13;
	s12 =	sshrl.u32 s12, $0x3  }
0x12: {  	s10 =	sadd.s32 $0x15800, s10;
	s17 =	sshrl.u32 s17, $0x3;
	s12 =	sadd.s32 s15, s12  }
0x13: {  	s14 =	sadd.s32 s15, s17;
	s15 =	sadd.s32 s15, s31;
	s17 =	simm.s32 $0xDD00  }
.LBB2_1:
0x14: {  	[tilespmem:s17], [sflag:$0x3] =	stream.linear.gather [hbm4b:s5+s4], $0x2800, $0x38;
	[tilespmem:$0x1A500] =	vst v63  }
0x15: {  	_ =	swait.ge [sflag:s18], $0x2800  }
0x16: {  	[sflag:s18] =	ssyncset.done $0x0  }
0x17: {  	[sflag:s18] =	ssyncadd.s32 $0xFFFFD800  }
0x18: {  	[spmem:s6] =	stream.linear.scatter [tilespmem:s17], [sflag:$0x3], $0x2800, $0x38;
	[tilespmem:$0x1A500] =	vst v63  }
0x19: {  	_ =	swait.ge [sflag:s18], $0x2800  }
0x1a: {  	[sflag:s18] =	ssyncset.done $0x0  }
0x1b: {  	[sflag:s18] =	ssyncadd.s32 $0xFFFFD800  }
0x1c: {  	[spmem:s7] =	stream.linear.scatter [tilespmem:s17], [sflag:$0x3], $0x2800, $0x38;
	[tilespmem:$0x1A500] =	vst v63  }
0x1d: {  	_ =	swait.ge [sflag:s18], $0x2800  }
0x1e: {  	[sflag:s18] =	ssyncset.done $0x0  }
0x1f: {  	[sflag:s18] =	ssyncadd.s32 $0xFFFFD800  }
0x20: {  	[spmem:s8] =	stream.linear.scatter [tilespmem:s17], [sflag:$0x3], $0x2800, $0x38;
	[tilespmem:$0x1A500] =	vst v63  }
0x21: {  	_ =	swait.ge [sflag:s18], $0x2800  }
0x22: {  	[sflag:s18] =	ssyncset.done $0x0  }
0x23: {  	[sflag:s18] =	ssyncadd.s32 $0xFFFFD800  }
0x24: {  	[spmem:s9] =	stream.linear.scatter [tilespmem:s17], [sflag:$0x3], $0x2800, $0x38;
	[tilespmem:$0x1A500] =	vst v63  }
0x25: {  	_ =	swait.ge [sflag:s18], $0x2800  }
0x26: {  	[sflag:s18] =	ssyncset.done $0x0  }
0x27: {  	[sflag:s18] =	ssyncadd.s32 $0xFFFFD800  }
0x28: {  	[tilespmem:s4], [sflag:$0x3] =	stream.linear.gather [hbm4b:s10+s4], $0x4E80, $0x38;
	[tilespmem:$0x1A500] =	vst v63  }
0x29: {  	_ =	swait.ge [sflag:s18], $0x4E80  }
0x2a: {  	[sflag:s18] =	ssyncset.done $0x0  }
0x2b: {  	[sflag:s18] =	ssyncadd.s32 $0xFFFFB180  }
0x2c: {  	[tilespmem:s19], [sflag:$0x3] =	stream.linear.gather [hbm4b:s11+s4], $0x4E80, $0x38;
	[tilespmem:$0x1A500] =	vst v63  }
0x2d: {  	_ =	swait.ge [sflag:s18], $0x4E80  }
0x2e: {  	[sflag:s18] =	ssyncset.done $0x0  }
0x2f: {  	[sflag:s18] =	ssyncadd.s32 $0xFFFFB180  }
0x30: {  	[bflag:$0x0] =	sbarrier.arrive $0xFFFF  }
0x31: {  	[tilespmem:s21], [sflag:$0x1] =	stream.indirect.gather [hbm4b:s1+s20], $0x40, s4, s20, $0xb8;
	[tilespmem:$0x1A500] =	vst v63  }
0x32: {  	s28 =	simm.s32 $0x80  }
0x33: {  	[tilespmem:s22], [sflag:$0x2] =	stream.indirect.gather [hbm4b:s1+s20], $0x40, s28, s20, $0xb8;
	[tilespmem:$0x1A500] =	vst v63  }
0x34: {  	_ =	swait.ge [sflag:s23], $0x2000  }
0x35: {  	[sflag:s23] =	ssyncset.done $0x0  }
0x36: {  	s28 =	simm.s32 $0x4E80;
	[sflag:s23] =	ssyncadd.s32 $0xFFFFE000  }
0x37: {  	[spmem:s3] =	stream.indirect.scatter.add.f32 [tilespmem:s21], [sflag:$0x3], $0x40, s28, s20, $0xb8;
	[tilespmem:$0x1A500] =	vst v63  }
0x38: {  	_ =	swait.ge [sflag:s18], $0x2000  }
0x39: {  	[sflag:s18] =	ssyncset.done $0x0  }
0x3a: {  	s28 =	simm.s32 $0x100;
	[sflag:s18] =	ssyncadd.s32 $0xFFFFE000  }
0x3b: {  	[tilespmem:s21], [sflag:$0x1] =	stream.indirect.gather [hbm4b:s1+s20], $0x40, s28, s20, $0xb8;
	[tilespmem:$0x1A500] =	vst v63  }
0x3c: {  	_ =	swait.ge [sflag:s24], $0x2000  }
0x3d: {  	[sflag:s24] =	ssyncset.done $0x0  }
0x3e: {  	s28 =	simm.s32 $0x4F00;
	[sflag:s24] =	ssyncadd.s32 $0xFFFFE000  }
0x3f: {  	[spmem:s3] =	stream.indirect.scatter.add.f32 [tilespmem:s22], [sflag:$0x3], $0x40, s28, s20, $0xb8;
	[tilespmem:$0x1A500] =	vst v63  }
0x40: {  	_ =	swait.ge [sflag:s18], $0x2000  }
0x41: {  	s29 =	simm.s32 $0x800;
	s28 =	simm.s32 $0x100;
	[sflag:s18] =	ssyncset.done $0x0  }
.LBB2_2:
0x42: {  	s30 =	sadd.s32 $0x80, s28  }
0x43: {  	[sflag:s18] =	ssyncadd.s32 $0xFFFFE000;
	s31 =	smov.u32 s29;
	s2 =	sadd.s32 $0x400, s29  }
0x44: {  	[tilespmem:s22], [sflag:$0x2] =	stream.indirect.gather [hbm4b:s1+s20], $0x40, s30, s20, $0xb8;
	[tilespmem:$0x1A500] =	vst v63  }
0x45: {  	p0 =	sne.s32 s29, $0x13400;
	_ =	swait.ge [sflag:s23], $0x2000  }
0x46: {  	[sflag:s23] =	ssyncset.done $0x0  }
0x47: {  	s29 =	sadd.s32 $0x4E80, s28;
	[sflag:s23] =	ssyncadd.s32 $0xFFFFE000  }
0x48: {  	[spmem:s3] =	stream.indirect.scatter.add.f32 [tilespmem:s21], [sflag:$0x3], $0x40, s29, s20, $0xb8;
	[tilespmem:$0x1A500] =	vst v63  }
0x49: {  	_ =	swait.ge [sflag:s18], $0x2000  }
0x4a: {  	[sflag:s18] =	ssyncset.done $0x0  }
0x4b: {  	s29 =	sadd.s32 $0x100, s28;
	[sflag:s18] =	ssyncadd.s32 $0xFFFFE000  }
0x4c: {  	[tilespmem:s21], [sflag:$0x1] =	stream.indirect.gather [hbm4b:s1+s20], $0x40, s29, s20, $0xb8;
	[tilespmem:$0x1A500] =	vst v63  }
0x4d: {  	_ =	swait.ge [sflag:s24], $0x2000  }
.Ltmp0:
0x4e: {  	[sflag:s24] =	ssyncset.done $0x0;
	(pc) =	sbr.rel @p0 .LBB2_2-.Ltmp0, $4  }
0x4f: {  	s28 =	sadd.s32 $0x4F00, s28;
	[sflag:s24] =	ssyncadd.s32 $0xFFFFE000  }
0x50: {  	[spmem:s3] =	stream.indirect.scatter.add.f32 [tilespmem:s22], [sflag:$0x3], $0x40, s28, s20, $0xb8;
	[tilespmem:$0x1A500] =	vst v63  }
0x51: {  	_ =	swait.ge [sflag:s18], $0x2000  }
0x52: {  	s29 =	smov.u32 s2;
	s28 =	sshra.s32 s31, $0x2;
	[sflag:s18] =	ssyncset.done $0x0  }
0x53: {  	s2 =	sadd.s32 $0x80, s28;
	[sflag:s18] =	ssyncadd.s32 $0xFFFFE000  }
0x54: {  	[tilespmem:s22], [sflag:$0x2] =	stream.indirect.gather [hbm4b:s1+s20], $0x40, s2, s20, $0xb8;
	[tilespmem:$0x1A500] =	vst v63  }
0x55: {  	_ =	swait.ge [sflag:s23], $0x2000  }
0x56: {  	[sflag:s23] =	ssyncset.done $0x0  }
0x57: {  	s29 =	sadd.s32 $0x4E80, s28;
	[sflag:s23] =	ssyncadd.s32 $0xFFFFE000  }
0x58: {  	[spmem:s3] =	stream.indirect.scatter.add.f32 [tilespmem:s21], [sflag:$0x3], $0x40, s29, s20, $0xb8;
	[tilespmem:$0x1A500] =	vst v63  }
0x59: {  	_ =	swait.ge [sflag:s18], $0x2000  }
0x5a: {  	[sflag:s18] =	ssyncset.done $0x0  }
0x5b: {  	s30 =	sadd.s32 $0x100, s28;
	[sflag:s18] =	ssyncadd.s32 $0xFFFFE000  }
0x5c: {  	[tilespmem:s21], [sflag:$0x1] =	stream.indirect.gather [hbm4b:s1+s20], $0x40, s30, s20, $0xb8;
	[tilespmem:$0x1A500] =	vst v63  }
0x5d: {  	_ =	swait.ge [sflag:s24], $0x2000  }
0x5e: {  	[sflag:s24] =	ssyncset.done $0x0  }
0x5f: {  	s31 =	sadd.s32 $0x4F00, s28;
	[sflag:s24] =	ssyncadd.s32 $0xFFFFE000  }
0x60: {  	[spmem:s3] =	stream.indirect.scatter.add.f32 [tilespmem:s22], [sflag:$0x3], $0x40, s31, s20, $0xb8;
	[tilespmem:$0x1A500] =	vst v63  }
0x61: {  	_ =	swait.ge [sflag:s18], $0x2000  }
0x62: {  	[sflag:s18] =	ssyncset.done $0x0  }
0x63: {  	[sflag:s18] =	ssyncadd.s32 $0xFFFFE000  }
0x64: {  	_ =	swait.ge [sflag:s23], $0x2000  }
0x65: {  	[sflag:s23] =	ssyncset.done $0x0  }
0x66: {  	[sflag:s23] =	ssyncadd.s32 $0xFFFFE000  }
0x67: {  	[spmem:s3] =	stream.indirect.scatter.add.f32 [tilespmem:s21], [sflag:$0x3], $0x40, s25, s20, $0xb8;
	[tilespmem:$0x1A500] =	vst v63  }
0x68: {  	_ =	swait.ge [sflag:s18], $0x2000  }
0x69: {  	[sflag:s18] =	ssyncset.done $0x0  }
0x6a: {  	[sflag:s18] =	ssyncadd.s32 $0xFFFFE000  }
0x6b: {  	[bflag:$0x0] =	sbarrier.arrive $0xFFFF  }
0x6c: {  	[tilespmem:s17], [sflag:$0x3] =	stream.linear.gather [spmem:s6], $0x2800, $0x38;
	[tilespmem:$0x1A500] =	vst v63  }
0x6d: {  	_ =	swait.ge [sflag:s18], $0x2800  }
0x6e: {  	[sflag:s18] =	ssyncset.done $0x0  }
0x6f: {  	[sflag:s18] =	ssyncadd.s32 $0xFFFFD800  }
0x70: {  	[hbm4b:s12+s4] =	stream.linear.scatter [tilespmem:s17], [sflag:$0x3], $0x2800, $0x38;
	[tilespmem:$0x1A500] =	vst v63  }
0x71: {  	_ =	swait.ge [sflag:s18], $0x2800  }
0x72: {  	[sflag:s18] =	ssyncset.done $0x0  }
0x73: {  	[sflag:s18] =	ssyncadd.s32 $0xFFFFD800  }
0x74: {  	[tilespmem:s17], [sflag:$0x3] =	stream.linear.gather [spmem:s7], $0x2800, $0x38;
	[tilespmem:$0x1A500] =	vst v63  }
0x75: {  	_ =	swait.ge [sflag:s18], $0x2800  }
0x76: {  	[sflag:s18] =	ssyncset.done $0x0  }
0x77: {  	[sflag:s18] =	ssyncadd.s32 $0xFFFFD800  }
0x78: {  	[hbm4b:s13+s4] =	stream.linear.scatter [tilespmem:s17], [sflag:$0x3], $0x2800, $0x38;
	[tilespmem:$0x1A500] =	vst v63  }
0x79: {  	_ =	swait.ge [sflag:s18], $0x2800  }
0x7a: {  	[sflag:s18] =	ssyncset.done $0x0  }
0x7b: {  	[sflag:s18] =	ssyncadd.s32 $0xFFFFD800  }
0x7c: {  	[tilespmem:s17], [sflag:$0x3] =	stream.linear.gather [spmem:s8], $0x2800, $0x38;
	[tilespmem:$0x1A500] =	vst v63  }
0x7d: {  	_ =	swait.ge [sflag:s18], $0x2800  }
0x7e: {  	[sflag:s18] =	ssyncset.done $0x0  }
0x7f: {  	[sflag:s18] =	ssyncadd.s32 $0xFFFFD800  }
0x80: {  	[hbm4b:s14+s4] =	stream.linear.scatter [tilespmem:s17], [sflag:$0x3], $0x2800, $0x38;
	[tilespmem:$0x1A500] =	vst v63  }
0x81: {  	_ =	swait.ge [sflag:s18], $0x2800  }
0x82: {  	[sflag:s18] =	ssyncset.done $0x0  }
0x83: {  	[sflag:s18] =	ssyncadd.s32 $0xFFFFD800  }
0x84: {  	[tilespmem:s17], [sflag:$0x3] =	stream.linear.gather [spmem:s9], $0x2800, $0x38;
	[tilespmem:$0x1A500] =	vst v63  }
0x85: {  	s26 =	sadd.s32 $0x1, s26;
	_ =	swait.ge [sflag:s18], $0x2800  }
0x86: {  	p0 =	sne.s32 s26, s16;
	[sflag:s18] =	ssyncset.done $0x0  }
.Ltmp1:
0x87: {  	[sflag:s18] =	ssyncadd.s32 $0xFFFFD800;
	(pc) =	sbr.rel @p0 .LBB2_1-.Ltmp1, $4  }
0x88: {  	[hbm4b:s15+s4] =	stream.linear.scatter [tilespmem:s17], [sflag:$0x3], $0x2800, $0x38;
	[tilespmem:$0x1A500] =	vst v63  }
0x89: {  	_ =	swait.ge [sflag:s18], $0x2800  }
0x8a: {  	[sflag:s18] =	ssyncset.done $0x0  }
0x8b: {  	[sflag:s18] =	ssyncadd.s32 $0xFFFFD800  }
0x8c: {  	_ =	sfence.sel $0x180000  }
0x8d: {  	[bflag:$0x0] =	sbarrier.arrive $0xFFFF  }
0x8e: {  	_ =	strace $0x9000004A  }
0x8f: {  	[bflag:$0x2] =	sbarrier.arrive $0xFFFF  }
0x90: {  	p0 =	sne.s32 s0, $0x0;
	s0 =	rddreg [dreg:$0x3]  }
0x91: {  	s0 =	sadd.s32 @!p0 $0x100000, s0  }
0x92: {  	[sflag:s0] =	ssyncadd.tile.s32 @!p0 $0x1;
	_ =	shalt  }
.Lfunc_end2:
_tile_overlayer_lowered:
.L_overlay_start_2:
0x93: {  	(tag) =	ssettag $0x2  }
0x94: {  	s0 =	rddreg [dreg:$0x0];
	s2 =	stileid.u32  }
0x95: {  	s1 =	rddreg [dreg:$0x1];
	p0 =	sne.s32 s2, $0x0  }
0x96: {  	s3 =	rddreg [dreg:$0x2];
	[bflag:$0x3] =	sbarrier.arrive $0xFFFF;
	s2 =	simm.s32 @!p0 $0x1C03  }
0x97: {  	[timem:s3], [sflag:s2] =	dma.local @!p0 [hbm:s0], s1  }
0x98: {  	s0 =	simm.s32 @!p0 $0x3  }
0x99: {  	_ =	swait.ge @!p0 [sflag:s0], s1  }
0x9a: {  	s1 =	ssub.s32 @!p0 $0x0, s1;
	[sflag:s0] =	ssyncset.done @!p0 $0x0  }
0x9b: {  	[sflag:s0] =	ssyncadd.s32 @!p0 s1  }
0x9c: {  	[bflag:$0x3] =	sbarrier.arrive $0xFFFF  }
0x9d: {  	_ =	shalt  }

// kernel: kernel.14.cloned.1.call-start
scs
__scs_entry_jumppad:
0x0: {  	(pc) =	sbr.rel $0x88, $3  }
0x1: {  	(tag) =	ssettag $0x0;
	lr =	simm.s32 $0x1  }
0x2: {  	[smem:$0x3F9B] =	sst lr;
	_ =	strace $0xD0000000  }
0x3: {  	_ = 	snop  }
0x4: {  	_ = 	snop  }
0x5: {  	_ = 	snop  }
0x6: {  	_ = 	snop  }
0x7: {  	_ = 	snop  }
__scs_overlays_trampoline_lowered:
0x8: {  	[smem:$0x3FAA] =	sst s0  }
0x9: {  	[smem:$0x3FAB] =	sst s1  }
0xa: {  	[smem:$0x3FAC] =	sst s2  }
0xb: {  	[smem:$0x3FAD] =	sst s3  }
0xc: {  	[smem:$0x3FAE] =	sst s4  }
0xd: {  	[smem:$0x3FAF] =	sst s5  }
0xe: {  	[smem:$0x3FB0] =	sst s6  }
0xf: {  	[smem:$0x3FB1] =	sst s7  }
0x10: {  	[smem:$0x3FB2] =	sst s8  }
0x11: {  	[smem:$0x3FB3] =	sst s9;
	s0 =	simm.s32 @!p0 $0x0  }
0x12: {  	s1 =	sld [smem:$0x3F99];
	s0 =	simm.s32 @p0 $0x1  }
0x13: {  	[smem:$0x3FB4] =	sst s0;
	s0 =	simm.s32 @!p1 $0x0  }
0x14: {  	s2 =	sld [smem:$0x3F98];
	s0 =	simm.s32 @p1 $0x1  }
0x15: {  	[smem:$0x3FB5] =	sst s0;
	s0 =	simm.s32 @!p2 $0x0  }
0x16: {  	s3 =	sld [smem:$0x3FDB];
	s0 =	simm.s32 @p2 $0x1  }
0x17: {  	s4 =	simm.s32 $0x1BF5;
	[smem:$0x3FB7] =	sst s0  }
0x18: {  	s0 =	sld [smem:$0x3F9A];
	_ =	swait.ge [sflag:s4], $0x0  }
0x19: {  	s7 =	sld [smem:$0x3F9B]  }
0x1a: {  	s8 =	sadd.s32 $0xFFFFE003, lr  }
0x1b: {  	s9 =	sadd.s32 $0xFFFFFEF7, lr;
	s5 =	simm.s32 $0xFFFFFFFF;
	p2 =	slt.u32 s8, $0xFFFFF086  }
0x1c: {  	p1 =	slt.u32 s9, $0xF7A;
	s5 =	simm.s32 @!p2 $0x0  }
0x1d: {  	s5 =	simm.s32 @p1 $0x1;
	p0 =	seq.s32 s7, s2  }
0x1e: {  	s7 =	smul.u32 @!p0 $0xF7A, s2;
	p2 =	seq.s32 @!p0 s5, $0x0  }
0x1f: {  	s9 =	smul.u32 $0xF7A, s1;
	s8 =	simm.s32 @!p0 $0x1BF5;
	p2 =	por !p2, p0  }
0x20: {  	[sflag:s8] =	ssyncset.s32 @!p0 $0xFFFFF086;
	s6 =	sadd.s32 @!p0 s3, s7;
	s7 =	simm.s32 @!p0 $0x108  }
0x21: {  	s3 =	sadd.s32 s3, s9;
	s6 =	sadd.s32 @!p0 $0x88, s6;
	s7 =	simm.s32 @p2 $0x1082  }
0x22: {  	[simem:s7], [sflag:s8] =	dma.local @!p0 [hbm:s6], $0xF7A  }
0x23: {  	s9 =	sor.u32 $0xD0000000, s2;
	s6 =	simm.s32 $0x108;
	_ =	swait.ge @!p0 [sflag:s8], $0x0  }
0x24: {  	s3 =	sadd.s32 $0x88, s3;
	s6 =	simm.s32 @!p1 $0x1082;
	[sflag:s4] =	ssyncset.s32 $0xFFFFF086  }
0x25: {  	[simem:s6], [sflag:s4] =	dma.local [hbm:s3], $0xF7A  }
0x26: {  	[smem:$0x3F9B] =	sst s1;
	(tag) =	ssettag s2;
	_ =	strace s9  }
0x27: {  	s1 =	sld [smem:$0x3FAB]  }
0x28: {  	s2 =	sld [smem:$0x3FAC]  }
0x29: {  	s4 =	sld [smem:$0x3FAE]  }
0x2a: {  	p0 =	seq.s32 s5, $0x0;
	s5 =	sld [smem:$0x3FAF]  }
0x2b: {  	s6 =	sld [smem:$0x3FB0]  }
0x2c: {  	s7 =	sld [smem:$0x3FB1]  }
0x2d: {  	s3 =	simm.s32 $0x108;
	s8 =	sld [smem:$0x3FB2]  }
0x2e: {  	s3 =	simm.s32 @!p0 $0x1082;
	s9 =	sld [smem:$0x3FB3]  }
0x2f: {  	lr =	sadd.s32 s0, s3;
	s0 =	sld [smem:$0x3FAA]  }
0x30: {  	s3 =	sld [smem:$0x3FAD]  }
0x31: {  	[smem:$0x3FB6] =	sst s10  }
0x32: {  	s10 =	sld [smem:$0x3FB4];
	_ =	sdelay $0x3  }
0x33: {  	p0 =	seq.s32 s10, $0x1;
	s10 =	sld [smem:$0x3FB6];
	_ =	sdelay $0x3  }
0x34: {  	[smem:$0x3FB6] =	sst s10  }
0x35: {  	s10 =	sld [smem:$0x3FB5];
	_ =	sdelay $0x3  }
0x36: {  	p1 =	seq.s32 s10, $0x1;
	s10 =	sld [smem:$0x3FB6];
	_ =	sdelay $0x3  }
0x37: {  	[smem:$0x3FB6] =	sst s10  }
0x38: {  	s10 =	sld [smem:$0x3FB7]  }
0x39: {  	_ = 	snop;
	(pc) =	sbr.ind lr, $3  }
0x3a: {  	_ = 	snop  }
0x3b: {  	_ = 	snop  }
0x3c: {  	p2 =	seq.s32 s10, $0x1;
	s10 =	sld [smem:$0x3FB6]  }
0x3d: {  	_ =	shalt  }
0x3e: {  	_ =	shalt  }
0x3f: {  	_ =	shalt  }
0x40: {  	_ =	shalt  }
0x41: {  	_ =	shalt  }
0x42: {  	_ =	shalt  }
0x43: {  	_ =	shalt  }
0x44: {  	_ =	shalt  }
0x45: {  	_ =	shalt  }
0x46: {  	_ =	shalt  }
0x47: {  	_ =	shalt  }
0x48: {  	_ =	shalt  }
0x49: {  	_ =	shalt  }
0x4a: {  	_ =	shalt  }
0x4b: {  	_ =	shalt  }
0x4c: {  	_ =	shalt  }
0x4d: {  	_ =	shalt  }
0x4e: {  	_ =	shalt  }
0x4f: {  	_ =	shalt  }
0x50: {  	_ =	shalt  }
0x51: {  	_ =	shalt  }
0x52: {  	_ =	shalt  }
0x53: {  	_ =	shalt  }
0x54: {  	_ =	shalt  }
0x55: {  	_ =	shalt  }
0x56: {  	_ =	shalt  }
0x57: {  	_ =	shalt  }
0x58: {  	_ =	shalt  }
0x59: {  	_ =	shalt  }
0x5a: {  	_ =	shalt  }
0x5b: {  	_ =	shalt  }
0x5c: {  	_ =	shalt  }
0x5d: {  	_ =	shalt  }
0x5e: {  	_ =	shalt  }
0x5f: {  	_ =	shalt  }
0x60: {  	_ =	shalt  }
0x61: {  	_ =	shalt  }
0x62: {  	_ =	shalt  }
0x63: {  	_ =	shalt  }
0x64: {  	_ =	shalt  }
0x65: {  	_ =	shalt  }
0x66: {  	_ =	shalt  }
0x67: {  	_ =	shalt  }
0x68: {  	_ =	shalt  }
0x69: {  	_ =	shalt  }
0x6a: {  	_ =	shalt  }
0x6b: {  	_ =	shalt  }
0x6c: {  	_ =	shalt  }
0x6d: {  	_ =	shalt  }
0x6e: {  	_ =	shalt  }
0x6f: {  	_ =	shalt  }
0x70: {  	_ =	shalt  }
0x71: {  	_ =	shalt  }
0x72: {  	_ =	shalt  }
0x73: {  	_ =	shalt  }
0x74: {  	_ =	shalt  }
0x75: {  	_ =	shalt  }
0x76: {  	_ =	shalt  }
0x77: {  	_ =	shalt  }
0x78: {  	_ =	shalt  }
0x79: {  	_ =	shalt  }
0x7a: {  	_ =	shalt  }
0x7b: {  	_ =	shalt  }
0x7c: {  	_ =	shalt  }
0x7d: {  	_ =	shalt  }
0x7e: {  	_ =	shalt  }
0x7f: {  	_ =	shalt  }
0x80: {  	_ =	shalt  }
0x81: {  	_ =	shalt  }
0x82: {  	_ =	shalt  }
0x83: {  	_ =	shalt  }
0x84: {  	_ =	shalt  }
0x85: {  	_ =	shalt  }
0x86: {  	_ =	shalt  }
0x87: {  	_ =	shalt  }
.Lfunc_end0:
.L_simem_size_0:
called_computation.2_lowered:
.L_overlay_start_0:
0x88: {  	s2 =	sld [smem:$0x3FD9]  }
0x89: {  	s3 =	sld [smem:$0x3FFE];
	_ =	sdelay $0x1  }
0x8a: {  	s1 =	srdreg.scid  }
0x8b: {  	s0 =	sand.u32 $0x1, s1  }
0x8c: {  	s17 =	sshll.u32 s0, $0xA;
	s2 =	sadd.s32 s3, s2  }
0x8d: {  	s2 =	sadd.s32 s2, s17  }
0x8e: {  	[smem:$0x3FC2] =	sst s2  }
0x8f: {  	_ = 	snop  }
0x90: {  	s2 =	sld [smem:$0x3FD0];
	(tm) =	ssettm $0x1  }
0x91: {  	s18 =	sld [smem:$0x3FFB];
	_ =	sdelay $0x3  }
0x92: {  	_ =	strace s18  }
0x93: {  	s3 =	sld [smem:$0x3FFC];
	_ =	sdelay $0x3  }
0x94: {  	_ =	strace s3  }
0x95: {  	s3 =	sld [smem:$0x3FFD];
	_ =	sdelay $0x3  }
0x96: {  	_ =	strace s3  }
0x97: {  	_ =	strace $0x8FFFFFFF  }
0x98: {  	s19 =	sld [smem:$0x3FDB];
	_ =	sdelay $0x1  }
0x99: {  	s4 =	simm.s32 $_scs_section_size  }
0x9a: {  	s5 =	simm.s32 $_size__tile_overlayer_lowered;
	s6 =	simm.s32 $_tile_overlayer_lowered  }
0x9b: {  	s22 =	simm.s32 $0x1BFF;
	s21 =	sshll.u32 s6, $0x1;
	s3 =	sadd.s32 s4, s19  }
0x9c: {  	s7 =	simm.s32 $0x0;
	s20 =	sshll.u32 s5, $0x1;
	s5 =	sadd.s32 s21, s3  }
0x9d: {  	[timem:s7], [sflag:s22] =	dma.local [hbm:s5], s20  }
0x9e: {  	_ =	swait.ge [sflag:s22], s20  }
0x9f: {  	s4 =	ssub.s32 $0x0, s20;
	[sflag:s22] =	ssyncset.done $0x0  }
0xa0: {  	[sflag:s22] =	ssyncadd.s32 s4;
	_ =	sdelay $0x1  }
0xa1: {  	s23 =	simm.s32 $0x1B8B  }
0xa2: {  	_ =	swait.ge [sflag:s23], $0x1  }
0xa3: {  	[sflag:s23] =	ssyncset.done $0x0  }
0xa4: {  	s25 =	simm.s32 $0x1B8E;
	s24 =	sld [smem:$0x3FFE];
	[sflag:s23] =	ssyncadd.s32 $0xFFFFFFFF  }
0xa5: {  	s26 =	simm.s32 $execute0_lowered;
	[smem:$0x3FD2] =	sst s25  }
0xa6: {  	s5 =	sshll.u32 s26, $0x1;
	_ =	strace $0x8000004C;
	[dreg:$0x1] =	wrdreg $0xFFFFFFFF  }
0xa7: {  	s28 =	simm.s32 $_size_execute0_lowered;
	s3 =	sadd.s32 s3, s5;
	[dreg:$0x0] =	wrdreg $0x0  }
0xa8: {  	s5 =	sshll.u32 s28, $0x1;
	[dreg:$0x2] =	wrdreg s3  }
0xa9: {  	[dreg:$0x3] =	wrdreg s5  }
0xaa: {  	[dreg:$0x4] =	wrdreg $0xC0  }
0xab: {  	_ =	task [dreg:s7], $0x5FFFF  }
0xac: {  	[dreg:$0x1] =	wrdreg $0xFFFFFFFF  }
0xad: {  	[dreg:$0x0] =	wrdreg $0x60  }
0xae: {  	[dreg:$0x2] =	wrdreg s2  }
0xaf: {  	[dreg:$0x3] =	wrdreg s24  }
0xb0: {  	[dreg:$0x4] =	wrdreg $0x105000  }
0xb1: {  	[dreg:$0x5] =	wrdreg $0x9  }
0xb2: {  	_ =	task.clear_ibuf [dreg:s7], $0x6FFFF;
	_ =	strace $0x9000004C  }
0xb3: {  	s29 =	simm.s32 $0x9;
	_ =	strace $0x8000004E  }
0xb4: {  	_ =	swait.ge [sflag:s29], $0x1  }
0xb5: {  	[sflag:s29] =	ssyncadd.s32 $0xFFFFFFFF  }
0xb6: {  	_ =	strace $0x9000004E  }
0xb7: {  	_ =	sfence  }
0xb8: {  	s30 =	sld [smem:$0x0];
	_ =	sdelay $0x2  }
0xb9: {  	s31 =	sshll.u32 s1, $0xD;
	s1 =	sshrl.u32 s1, $0x2  }
0xba: {  	s3 =	sand.u32 $0x4000, s31;
	s1 =	sadd.s32 s1, s30  }
0xbb: {  	s0 =	sor.u32 s3, s0;
	s1 =	sshll.u32 s1, $0x11  }
0xbc: {  	s0 =	sor.u32 s1, s0  }
0xbd: {  	s0 =	sadd.s32 $0x8F2B, s0  }
0xbe: {  	[sflag:s0] =	ssyncadd.remote.s32 $0x1  }
0xbf: {  	_ =	sfence.sel $0xFFFF  }
0xc0: {  	[dreg:$0x0] =	wrdreg $0xFFFFFFFF;
	(pc) =	sbr.abs _section_cstart, $3  }
0xc1: {  	[dreg:$0x1] =	wrdreg $0xFFFFFFFF  }
0xc2: {  	_ =	task.clear_ibuf [dreg:s7], $0x2FFFF;
	_ =	strace $0x9FFFFFFF  }
0xc3: {  	(tm) =	ssettm $0x7FFFFFFF  }
tec
execute0_lowered:
.L_overlay_start_1:
0x0: {  	(tag) =	ssettag $0x1  }
0x1: {  	s1 =	rddreg [dreg:$0x0];
	s2 =	srdreg.scid  }
0x2: {  	s0 =	stileid.u32;
	s6 =	rddreg [dreg:$0x1]  }
0x3: {  	s3 =	rddreg [dreg:$0x2];
	s4 =	simm.s32 $0x0;
	s19 =	simm.s32 $0x4E80  }
0x4: {  	s20 =	simm.s32 $0x80;
	s21 =	simm.s32 $0x9D00;
	s22 =	simm.s32 $0xBD00  }
0x5: {  	s23 =	simm.s32 $0x1;
	s24 =	simm.s32 $0x2;
	s25 =	simm.s32 $0x9C80  }
0x6: {  	s26 =	simm.s32 $0x0;
	s7 =	sand.u32 $0x1, s2;
	s5 =	smul.u32 $0x4E80, s0  }
0x7: {  	[smem:$0x7FF] =	sst s4;
	s12 =	smul.u32 $0xA000, s0;
	s15 =	sadd.s32 $0x79200, s6  }
0x8: {  	s8 =	smul.u32 $0x4E800, s7;
	_ =	strace $0x8000004D;
	s30 =	ssub.s32 $0x2, s7  }
0x9: {  	s14 =	smul.u32 $0xA0000, s7;
	s9 =	sshrl.u32 s30, $0x1;
	s13 =	sadd.s32 $0x2800, s12  }
0xa: {  	s17 =	sadd.s32 $0x5000, s12;
	s18 =	sadd.s32 $0x7800, s12;
	s8 =	sadd.s32 s5, s8  }
0xb: {  	s5 =	sshrl.u32 s5, $0x3;
	s16 =	ssub.s32 s30, s9;
	s7 =	sadd.s32 s13, s3  }
0xc: {  	s9 =	sadd.s32 s18, s3;
	s13 =	sadd.s32 s14, s13;
	s18 =	sadd.s32 s14, s18  }
0xd: {  	s8 =	sshrl.u32 s8, $0x3;
	s11 =	sadd.s32 s5, s6;
	s5 =	sadd.s32 $0xB400, s6  }
0xe: {  	s13 =	sshrl.u32 s13, $0x3;
	s31 =	sshrl.u32 s18, $0x3;
	s16 =	smax.u32 s16, $0x1  }
0xf: {  	s18 =	simm.s32 $0x3;
	s10 =	sadd.s32 s8, s6;
	s6 =	sadd.s32 s12, s3  }
0x10: {  	s8 =	sadd.s32 s17, s3;
	s12 =	sadd.s32 s12, s14;
	s11 =	sadd.s32 $0xBA00, s11  }
0x11: {  	s17 =	sadd.s32 s14, s17;
	s13 =	sadd.s32 s15, s13;
	s12 =	sshrl.u32 s12, $0x3  }
0x12: {  	s10 =	sadd.s32 $0x15800, s10;
	s17 =	sshrl.u32 s17, $0x3;
	s12 =	sadd.s32 s15, s12  }
0x13: {  	s14 =	sadd.s32 s15, s17;
	s15 =	sadd.s32 s15, s31;
	s17 =	simm.s32 $0xDD00  }
.LBB2_1:
0x14: {  	[tilespmem:s17], [sflag:$0x3] =	stream.linear.gather [hbm4b:s5+s4], $0x2800, $0x38;
	[tilespmem:$0x1A500] =	vst v63  }
0x15: {  	_ =	swait.ge [sflag:s18], $0x2800  }
0x16: {  	[sflag:s18] =	ssyncset.done $0x0  }
0x17: {  	[sflag:s18] =	ssyncadd.s32 $0xFFFFD800  }
0x18: {  	[spmem:s6] =	stream.linear.scatter [tilespmem:s17], [sflag:$0x3], $0x2800, $0x38;
	[tilespmem:$0x1A500] =	vst v63  }
0x19: {  	_ =	swait.ge [sflag:s18], $0x2800  }
0x1a: {  	[sflag:s18] =	ssyncset.done $0x0  }
0x1b: {  	[sflag:s18] =	ssyncadd.s32 $0xFFFFD800  }
0x1c: {  	[spmem:s7] =	stream.linear.scatter [tilespmem:s17], [sflag:$0x3], $0x2800, $0x38;
	[tilespmem:$0x1A500] =	vst v63  }
0x1d: {  	_ =	swait.ge [sflag:s18], $0x2800  }
0x1e: {  	[sflag:s18] =	ssyncset.done $0x0  }
0x1f: {  	[sflag:s18] =	ssyncadd.s32 $0xFFFFD800  }
0x20: {  	[spmem:s8] =	stream.linear.scatter [tilespmem:s17], [sflag:$0x3], $0x2800, $0x38;
	[tilespmem:$0x1A500] =	vst v63  }
0x21: {  	_ =	swait.ge [sflag:s18], $0x2800  }
0x22: {  	[sflag:s18] =	ssyncset.done $0x0  }
0x23: {  	[sflag:s18] =	ssyncadd.s32 $0xFFFFD800  }
0x24: {  	[spmem:s9] =	stream.linear.scatter [tilespmem:s17], [sflag:$0x3], $0x2800, $0x38;
	[tilespmem:$0x1A500] =	vst v63  }
0x25: {  	_ =	swait.ge [sflag:s18], $0x2800  }
0x26: {  	[sflag:s18] =	ssyncset.done $0x0  }
0x27: {  	[sflag:s18] =	ssyncadd.s32 $0xFFFFD800  }
0x28: {  	[tilespmem:s4], [sflag:$0x3] =	stream.linear.gather [hbm4b:s10+s4], $0x4E80, $0x38;
	[tilespmem:$0x1A500] =	vst v63  }
0x29: {  	_ =	swait.ge [sflag:s18], $0x4E80  }
0x2a: {  	[sflag:s18] =	ssyncset.done $0x0  }
0x2b: {  	[sflag:s18] =	ssyncadd.s32 $0xFFFFB180  }
0x2c: {  	[tilespmem:s19], [sflag:$0x3] =	stream.linear.gather [hbm4b:s11+s4], $0x4E80, $0x38;
	[tilespmem:$0x1A500] =	vst v63  }
0x2d: {  	_ =	swait.ge [sflag:s18], $0x4E80  }
0x2e: {  	[sflag:s18] =	ssyncset.done $0x0  }
0x2f: {  	[sflag:s18] =	ssyncadd.s32 $0xFFFFB180  }
0x30: {  	[bflag:$0x0] =	sbarrier.arrive $0xFFFF  }
0x31: {  	[tilespmem:s21], [sflag:$0x1] =	stream.indirect.gather [hbm4b:s1+s20], $0x40, s4, s20, $0xb8;
	[tilespmem:$0x1A500] =	vst v63  }
0x32: {  	s28 =	simm.s32 $0x80  }
0x33: {  	[tilespmem:s22], [sflag:$0x2] =	stream.indirect.gather [hbm4b:s1+s20], $0x40, s28, s20, $0xb8;
	[tilespmem:$0x1A500] =	vst v63  }
0x34: {  	_ =	swait.ge [sflag:s23], $0x2000  }
0x35: {  	[sflag:s23] =	ssyncset.done $0x0  }
0x36: {  	s28 =	simm.s32 $0x4E80;
	[sflag:s23] =	ssyncadd.s32 $0xFFFFE000  }
0x37: {  	[spmem:s3] =	stream.indirect.scatter.add.f32 [tilespmem:s21], [sflag:$0x3], $0x40, s28, s20, $0xb8;
	[tilespmem:$0x1A500] =	vst v63  }
0x38: {  	_ =	swait.ge [sflag:s18], $0x2000  }
0x39: {  	[sflag:s18] =	ssyncset.done $0x0  }
0x3a: {  	s28 =	simm.s32 $0x100;
	[sflag:s18] =	ssyncadd.s32 $0xFFFFE000  }
0x3b: {  	[tilespmem:s21], [sflag:$0x1] =	stream.indirect.gather [hbm4b:s1+s20], $0x40, s28, s20, $0xb8;
	[tilespmem:$0x1A500] =	vst v63  }
0x3c: {  	_ =	swait.ge [sflag:s24], $0x2000  }
0x3d: {  	[sflag:s24] =	ssyncset.done $0x0  }
0x3e: {  	s28 =	simm.s32 $0x4F00;
	[sflag:s24] =	ssyncadd.s32 $0xFFFFE000  }
0x3f: {  	[spmem:s3] =	stream.indirect.scatter.add.f32 [tilespmem:s22], [sflag:$0x3], $0x40, s28, s20, $0xb8;
	[tilespmem:$0x1A500] =	vst v63  }
0x40: {  	_ =	swait.ge [sflag:s18], $0x2000  }
0x41: {  	s29 =	simm.s32 $0x800;
	s28 =	simm.s32 $0x100;
	[sflag:s18] =	ssyncset.done $0x0  }
.LBB2_2:
0x42: {  	s30 =	sadd.s32 $0x80, s28  }
0x43: {  	[sflag:s18] =	ssyncadd.s32 $0xFFFFE000;
	s31 =	smov.u32 s29;
	s2 =	sadd.s32 $0x400, s29  }
0x44: {  	[tilespmem:s22], [sflag:$0x2] =	stream.indirect.gather [hbm4b:s1+s20], $0x40, s30, s20, $0xb8;
	[tilespmem:$0x1A500] =	vst v63  }
0x45: {  	p0 =	sne.s32 s29, $0x13400;
	_ =	swait.ge [sflag:s23], $0x2000  }
0x46: {  	[sflag:s23] =	ssyncset.done $0x0  }
0x47: {  	s29 =	sadd.s32 $0x4E80, s28;
	[sflag:s23] =	ssyncadd.s32 $0xFFFFE000  }
0x48: {  	[spmem:s3] =	stream.indirect.scatter.add.f32 [tilespmem:s21], [sflag:$0x3], $0x40, s29, s20, $0xb8;
	[tilespmem:$0x1A500] =	vst v63  }
0x49: {  	_ =	swait.ge [sflag:s18], $0x2000  }
0x4a: {  	[sflag:s18] =	ssyncset.done $0x0  }
0x4b: {  	s29 =	sadd.s32 $0x100, s28;
	[sflag:s18] =	ssyncadd.s32 $0xFFFFE000  }
0x4c: {  	[tilespmem:s21], [sflag:$0x1] =	stream.indirect.gather [hbm4b:s1+s20], $0x40, s29, s20, $0xb8;
	[tilespmem:$0x1A500] =	vst v63  }
0x4d: {  	_ =	swait.ge [sflag:s24], $0x2000  }
.Ltmp0:
0x4e: {  	[sflag:s24] =	ssyncset.done $0x0;
	(pc) =	sbr.rel @p0 .LBB2_2-.Ltmp0, $4  }
0x4f: {  	s28 =	sadd.s32 $0x4F00, s28;
	[sflag:s24] =	ssyncadd.s32 $0xFFFFE000  }
0x50: {  	[spmem:s3] =	stream.indirect.scatter.add.f32 [tilespmem:s22], [sflag:$0x3], $0x40, s28, s20, $0xb8;
	[tilespmem:$0x1A500] =	vst v63  }
0x51: {  	_ =	swait.ge [sflag:s18], $0x2000  }
0x52: {  	s29 =	smov.u32 s2;
	s28 =	sshra.s32 s31, $0x2;
	[sflag:s18] =	ssyncset.done $0x0  }
0x53: {  	s2 =	sadd.s32 $0x80, s28;
	[sflag:s18] =	ssyncadd.s32 $0xFFFFE000  }
0x54: {  	[tilespmem:s22], [sflag:$0x2] =	stream.indirect.gather [hbm4b:s1+s20], $0x40, s2, s20, $0xb8;
	[tilespmem:$0x1A500] =	vst v63  }
0x55: {  	_ =	swait.ge [sflag:s23], $0x2000  }
0x56: {  	[sflag:s23] =	ssyncset.done $0x0  }
0x57: {  	s29 =	sadd.s32 $0x4E80, s28;
	[sflag:s23] =	ssyncadd.s32 $0xFFFFE000  }
0x58: {  	[spmem:s3] =	stream.indirect.scatter.add.f32 [tilespmem:s21], [sflag:$0x3], $0x40, s29, s20, $0xb8;
	[tilespmem:$0x1A500] =	vst v63  }
0x59: {  	_ =	swait.ge [sflag:s18], $0x2000  }
0x5a: {  	[sflag:s18] =	ssyncset.done $0x0  }
0x5b: {  	s30 =	sadd.s32 $0x100, s28;
	[sflag:s18] =	ssyncadd.s32 $0xFFFFE000  }
0x5c: {  	[tilespmem:s21], [sflag:$0x1] =	stream.indirect.gather [hbm4b:s1+s20], $0x40, s30, s20, $0xb8;
	[tilespmem:$0x1A500] =	vst v63  }
0x5d: {  	_ =	swait.ge [sflag:s24], $0x2000  }
0x5e: {  	[sflag:s24] =	ssyncset.done $0x0  }
0x5f: {  	s31 =	sadd.s32 $0x4F00, s28;
	[sflag:s24] =	ssyncadd.s32 $0xFFFFE000  }
0x60: {  	[spmem:s3] =	stream.indirect.scatter.add.f32 [tilespmem:s22], [sflag:$0x3], $0x40, s31, s20, $0xb8;
	[tilespmem:$0x1A500] =	vst v63  }
0x61: {  	_ =	swait.ge [sflag:s18], $0x2000  }
0x62: {  	[sflag:s18] =	ssyncset.done $0x0  }
0x63: {  	[sflag:s18] =	ssyncadd.s32 $0xFFFFE000  }
0x64: {  	_ =	swait.ge [sflag:s23], $0x2000  }
0x65: {  	[sflag:s23] =	ssyncset.done $0x0  }
0x66: {  	[sflag:s23] =	ssyncadd.s32 $0xFFFFE000  }
0x67: {  	[spmem:s3] =	stream.indirect.scatter.add.f32 [tilespmem:s21], [sflag:$0x3], $0x40, s25, s20, $0xb8;
	[tilespmem:$0x1A500] =	vst v63  }
0x68: {  	_ =	swait.ge [sflag:s18], $0x2000  }
0x69: {  	[sflag:s18] =	ssyncset.done $0x0  }
0x6a: {  	[sflag:s18] =	ssyncadd.s32 $0xFFFFE000  }
0x6b: {  	[bflag:$0x0] =	sbarrier.arrive $0xFFFF  }
0x6c: {  	[tilespmem:s17], [sflag:$0x3] =	stream.linear.gather [spmem:s6], $0x2800, $0x38;
	[tilespmem:$0x1A500] =	vst v63  }
0x6d: {  	_ =	swait.ge [sflag:s18], $0x2800  }
0x6e: {  	[sflag:s18] =	ssyncset.done $0x0  }
0x6f: {  	[sflag:s18] =	ssyncadd.s32 $0xFFFFD800  }
0x70: {  	[hbm4b:s12+s4] =	stream.linear.scatter [tilespmem:s17], [sflag:$0x3], $0x2800, $0x38;
	[tilespmem:$0x1A500] =	vst v63  }
0x71: {  	_ =	swait.ge [sflag:s18], $0x2800  }
0x72: {  	[sflag:s18] =	ssyncset.done $0x0  }
0x73: {  	[sflag:s18] =	ssyncadd.s32 $0xFFFFD800  }
0x74: {  	[tilespmem:s17], [sflag:$0x3] =	stream.linear.gather [spmem:s7], $0x2800, $0x38;
	[tilespmem:$0x1A500] =	vst v63  }
0x75: {  	_ =	swait.ge [sflag:s18], $0x2800  }
0x76: {  	[sflag:s18] =	ssyncset.done $0x0  }
0x77: {  	[sflag:s18] =	ssyncadd.s32 $0xFFFFD800  }
0x78: {  	[hbm4b:s13+s4] =	stream.linear.scatter [tilespmem:s17], [sflag:$0x3], $0x2800, $0x38;
	[tilespmem:$0x1A500] =	vst v63  }
0x79: {  	_ =	swait.ge [sflag:s18], $0x2800  }
0x7a: {  	[sflag:s18] =	ssyncset.done $0x0  }
0x7b: {  	[sflag:s18] =	ssyncadd.s32 $0xFFFFD800  }
0x7c: {  	[tilespmem:s17], [sflag:$0x3] =	stream.linear.gather [spmem:s8], $0x2800, $0x38;
	[tilespmem:$0x1A500] =	vst v63  }
0x7d: {  	_ =	swait.ge [sflag:s18], $0x2800  }
0x7e: {  	[sflag:s18] =	ssyncset.done $0x0  }
0x7f: {  	[sflag:s18] =	ssyncadd.s32 $0xFFFFD800  }
0x80: {  	[hbm4b:s14+s4] =	stream.linear.scatter [tilespmem:s17], [sflag:$0x3], $0x2800, $0x38;
	[tilespmem:$0x1A500] =	vst v63  }
0x81: {  	_ =	swait.ge [sflag:s18], $0x2800  }
0x82: {  	[sflag:s18] =	ssyncset.done $0x0  }
0x83: {  	[sflag:s18] =	ssyncadd.s32 $0xFFFFD800  }
0x84: {  	[tilespmem:s17], [sflag:$0x3] =	stream.linear.gather [spmem:s9], $0x2800, $0x38;
	[tilespmem:$0x1A500] =	vst v63  }
0x85: {  	s26 =	sadd.s32 $0x1, s26;
	_ =	swait.ge [sflag:s18], $0x2800  }
0x86: {  	p0 =	sne.s32 s26, s16;
	[sflag:s18] =	ssyncset.done $0x0  }
.Ltmp1:
0x87: {  	[sflag:s18] =	ssyncadd.s32 $0xFFFFD800;
	(pc) =	sbr.rel @p0 .LBB2_1-.Ltmp1, $4  }
0x88: {  	[hbm4b:s15+s4] =	stream.linear.scatter [tilespmem:s17], [sflag:$0x3], $0x2800, $0x38;
	[tilespmem:$0x1A500] =	vst v63  }
0x89: {  	_ =	swait.ge [sflag:s18], $0x2800  }
0x8a: {  	[sflag:s18] =	ssyncset.done $0x0  }
0x8b: {  	[sflag:s18] =	ssyncadd.s32 $0xFFFFD800  }
0x8c: {  	_ =	sfence.sel $0x180000  }
0x8d: {  	[bflag:$0x0] =	sbarrier.arrive $0xFFFF  }
0x8e: {  	_ =	strace $0x9000004D  }
0x8f: {  	[bflag:$0x2] =	sbarrier.arrive $0xFFFF  }
0x90: {  	p0 =	sne.s32 s0, $0x0;
	s0 =	rddreg [dreg:$0x3]  }
0x91: {  	s0 =	sadd.s32 @!p0 $0x100000, s0  }
0x92: {  	[sflag:s0] =	ssyncadd.tile.s32 @!p0 $0x1;
	_ =	shalt  }
.Lfunc_end2:
_tile_overlayer_lowered:
.L_overlay_start_2:
0x93: {  	(tag) =	ssettag $0x2  }
0x94: {  	s0 =	rddreg [dreg:$0x0];
	s2 =	stileid.u32  }
0x95: {  	s1 =	rddreg [dreg:$0x1];
	p0 =	sne.s32 s2, $0x0  }
0x96: {  	s3 =	rddreg [dreg:$0x2];
	[bflag:$0x3] =	sbarrier.arrive $0xFFFF;
	s2 =	simm.s32 @!p0 $0x1C03  }
0x97: {  	[timem:s3], [sflag:s2] =	dma.local @!p0 [hbm:s0], s1  }
0x98: {  	s0 =	simm.s32 @!p0 $0x3  }
0x99: {  	_ =	swait.ge @!p0 [sflag:s0], s1  }
0x9a: {  	s1 =	ssub.s32 @!p0 $0x0, s1;
	[sflag:s0] =	ssyncset.done @!p0 $0x0  }
0x9b: {  	[sflag:s0] =	ssyncadd.s32 @!p0 s1  }
0x9c: {  	[bflag:$0x3] =	sbarrier.arrive $0xFFFF  }
0x9d: {  	_ =	shalt  }

// kernel: kernel.8.cloned.1.call-start
scs
__scs_entry_jumppad:
0x0: {  	(pc) =	sbr.rel $0x88, $3  }
0x1: {  	(tag) =	ssettag $0x0;
	lr =	simm.s32 $0x1  }
0x2: {  	[smem:$0x3F9B] =	sst lr;
	_ =	strace $0xD0000000  }
0x3: {  	_ = 	snop  }
0x4: {  	_ = 	snop  }
0x5: {  	_ = 	snop  }
0x6: {  	_ = 	snop  }
0x7: {  	_ = 	snop  }
__scs_overlays_trampoline_lowered:
0x8: {  	[smem:$0x3FAA] =	sst s0  }
0x9: {  	[smem:$0x3FAB] =	sst s1  }
0xa: {  	[smem:$0x3FAC] =	sst s2  }
0xb: {  	[smem:$0x3FAD] =	sst s3  }
0xc: {  	[smem:$0x3FAE] =	sst s4  }
0xd: {  	[smem:$0x3FAF] =	sst s5  }
0xe: {  	[smem:$0x3FB0] =	sst s6  }
0xf: {  	[smem:$0x3FB1] =	sst s7  }
0x10: {  	[smem:$0x3FB2] =	sst s8  }
0x11: {  	[smem:$0x3FB3] =	sst s9;
	s0 =	simm.s32 @!p0 $0x0  }
0x12: {  	s1 =	sld [smem:$0x3F99];
	s0 =	simm.s32 @p0 $0x1  }
0x13: {  	[smem:$0x3FB4] =	sst s0;
	s0 =	simm.s32 @!p1 $0x0  }
0x14: {  	s2 =	sld [smem:$0x3F98];
	s0 =	simm.s32 @p1 $0x1  }
0x15: {  	[smem:$0x3FB5] =	sst s0;
	s0 =	simm.s32 @!p2 $0x0  }
0x16: {  	s3 =	sld [smem:$0x3FDB];
	s0 =	simm.s32 @p2 $0x1  }
0x17: {  	s4 =	simm.s32 $0x1BF5;
	[smem:$0x3FB7] =	sst s0  }
0x18: {  	s0 =	sld [smem:$0x3F9A];
	_ =	swait.ge [sflag:s4], $0x0  }
0x19: {  	s7 =	sld [smem:$0x3F9B]  }
0x1a: {  	s8 =	sadd.s32 $0xFFFFE003, lr  }
0x1b: {  	s9 =	sadd.s32 $0xFFFFFEF7, lr;
	s5 =	simm.s32 $0xFFFFFFFF;
	p2 =	slt.u32 s8, $0xFFFFF086  }
0x1c: {  	p1 =	slt.u32 s9, $0xF7A;
	s5 =	simm.s32 @!p2 $0x0  }
0x1d: {  	s5 =	simm.s32 @p1 $0x1;
	p0 =	seq.s32 s7, s2  }
0x1e: {  	s7 =	smul.u32 @!p0 $0xF7A, s2;
	p2 =	seq.s32 @!p0 s5, $0x0  }
0x1f: {  	s9 =	smul.u32 $0xF7A, s1;
	s8 =	simm.s32 @!p0 $0x1BF5;
	p2 =	por !p2, p0  }
0x20: {  	[sflag:s8] =	ssyncset.s32 @!p0 $0xFFFFF086;
	s6 =	sadd.s32 @!p0 s3, s7;
	s7 =	simm.s32 @!p0 $0x108  }
0x21: {  	s3 =	sadd.s32 s3, s9;
	s6 =	sadd.s32 @!p0 $0x88, s6;
	s7 =	simm.s32 @p2 $0x1082  }
0x22: {  	[simem:s7], [sflag:s8] =	dma.local @!p0 [hbm:s6], $0xF7A  }
0x23: {  	s9 =	sor.u32 $0xD0000000, s2;
	s6 =	simm.s32 $0x108;
	_ =	swait.ge @!p0 [sflag:s8], $0x0  }
0x24: {  	s3 =	sadd.s32 $0x88, s3;
	s6 =	simm.s32 @!p1 $0x1082;
	[sflag:s4] =	ssyncset.s32 $0xFFFFF086  }
0x25: {  	[simem:s6], [sflag:s4] =	dma.local [hbm:s3], $0xF7A  }
0x26: {  	[smem:$0x3F9B] =	sst s1;
	(tag) =	ssettag s2;
	_ =	strace s9  }
0x27: {  	s1 =	sld [smem:$0x3FAB]  }
0x28: {  	s2 =	sld [smem:$0x3FAC]  }
0x29: {  	s4 =	sld [smem:$0x3FAE]  }
0x2a: {  	p0 =	seq.s32 s5, $0x0;
	s5 =	sld [smem:$0x3FAF]  }
0x2b: {  	s6 =	sld [smem:$0x3FB0]  }
0x2c: {  	s7 =	sld [smem:$0x3FB1]  }
0x2d: {  	s3 =	simm.s32 $0x108;
	s8 =	sld [smem:$0x3FB2]  }
0x2e: {  	s3 =	simm.s32 @!p0 $0x1082;
	s9 =	sld [smem:$0x3FB3]  }
0x2f: {  	lr =	sadd.s32 s0, s3;
	s0 =	sld [smem:$0x3FAA]  }
0x30: {  	s3 =	sld [smem:$0x3FAD]  }
0x31: {  	[smem:$0x3FB6] =	sst s10  }
0x32: {  	s10 =	sld [smem:$0x3FB4];
	_ =	sdelay $0x3  }
0x33: {  	p0 =	seq.s32 s10, $0x1;
	s10 =	sld [smem:$0x3FB6];
	_ =	sdelay $0x3  }
0x34: {  	[smem:$0x3FB6] =	sst s10  }
0x35: {  	s10 =	sld [smem:$0x3FB5];
	_ =	sdelay $0x3  }
0x36: {  	p1 =	seq.s32 s10, $0x1;
	s10 =	sld [smem:$0x3FB6];
	_ =	sdelay $0x3  }
0x37: {  	[smem:$0x3FB6] =	sst s10  }
0x38: {  	s10 =	sld [smem:$0x3FB7]  }
0x39: {  	_ = 	snop;
	(pc) =	sbr.ind lr, $3  }
0x3a: {  	_ = 	snop  }
0x3b: {  	_ = 	snop  }
0x3c: {  	p2 =	seq.s32 s10, $0x1;
	s10 =	sld [smem:$0x3FB6]  }
0x3d: {  	_ =	shalt  }
0x3e: {  	_ =	shalt  }
0x3f: {  	_ =	shalt  }
0x40: {  	_ =	shalt  }
0x41: {  	_ =	shalt  }
0x42: {  	_ =	shalt  }
0x43: {  	_ =	shalt  }
0x44: {  	_ =	shalt  }
0x45: {  	_ =	shalt  }
0x46: {  	_ =	shalt  }
0x47: {  	_ =	shalt  }
0x48: {  	_ =	shalt  }
0x49: {  	_ =	shalt  }
0x4a: {  	_ =	shalt  }
0x4b: {  	_ =	shalt  }
0x4c: {  	_ =	shalt  }
0x4d: {  	_ =	shalt  }
0x4e: {  	_ =	shalt  }
0x4f: {  	_ =	shalt  }
0x50: {  	_ =	shalt  }
0x51: {  	_ =	shalt  }
0x52: {  	_ =	shalt  }
0x53: {  	_ =	shalt  }
0x54: {  	_ =	shalt  }
0x55: {  	_ =	shalt  }
0x56: {  	_ =	shalt  }
0x57: {  	_ =	shalt  }
0x58: {  	_ =	shalt  }
0x59: {  	_ =	shalt  }
0x5a: {  	_ =	shalt  }
0x5b: {  	_ =	shalt  }
0x5c: {  	_ =	shalt  }
0x5d: {  	_ =	shalt  }
0x5e: {  	_ =	shalt  }
0x5f: {  	_ =	shalt  }
0x60: {  	_ =	shalt  }
0x61: {  	_ =	shalt  }
0x62: {  	_ =	shalt  }
0x63: {  	_ =	shalt  }
0x64: {  	_ =	shalt  }
0x65: {  	_ =	shalt  }
0x66: {  	_ =	shalt  }
0x67: {  	_ =	shalt  }
0x68: {  	_ =	shalt  }
0x69: {  	_ =	shalt  }
0x6a: {  	_ =	shalt  }
0x6b: {  	_ =	shalt  }
0x6c: {  	_ =	shalt  }
0x6d: {  	_ =	shalt  }
0x6e: {  	_ =	shalt  }
0x6f: {  	_ =	shalt  }
0x70: {  	_ =	shalt  }
0x71: {  	_ =	shalt  }
0x72: {  	_ =	shalt  }
0x73: {  	_ =	shalt  }
0x74: {  	_ =	shalt  }
0x75: {  	_ =	shalt  }
0x76: {  	_ =	shalt  }
0x77: {  	_ =	shalt  }
0x78: {  	_ =	shalt  }
0x79: {  	_ =	shalt  }
0x7a: {  	_ =	shalt  }
0x7b: {  	_ =	shalt  }
0x7c: {  	_ =	shalt  }
0x7d: {  	_ =	shalt  }
0x7e: {  	_ =	shalt  }
0x7f: {  	_ =	shalt  }
0x80: {  	_ =	shalt  }
0x81: {  	_ =	shalt  }
0x82: {  	_ =	shalt  }
0x83: {  	_ =	shalt  }
0x84: {  	_ =	shalt  }
0x85: {  	_ =	shalt  }
0x86: {  	_ =	shalt  }
0x87: {  	_ =	shalt  }
.Lfunc_end0:
.L_simem_size_0:
called_computation_lowered:
.L_overlay_start_0:
0x88: {  	s2 =	sld [smem:$0x3FD9]  }
0x89: {  	s3 =	sld [smem:$0x3FFE];
	_ =	sdelay $0x1  }
0x8a: {  	s1 =	srdreg.scid  }
0x8b: {  	s0 =	sand.u32 $0x1, s1  }
0x8c: {  	s17 =	sshll.u32 s0, $0xA;
	s2 =	sadd.s32 s3, s2  }
0x8d: {  	s2 =	sadd.s32 s2, s17  }
0x8e: {  	[smem:$0x3FC2] =	sst s2  }
0x8f: {  	_ = 	snop  }
0x90: {  	s2 =	sld [smem:$0x3FD0];
	(tm) =	ssettm $0x1  }
0x91: {  	s18 =	sld [smem:$0x3FFB];
	_ =	sdelay $0x3  }
0x92: {  	_ =	strace s18  }
0x93: {  	s3 =	sld [smem:$0x3FFC];
	_ =	sdelay $0x3  }
0x94: {  	_ =	strace s3  }
0x95: {  	s3 =	sld [smem:$0x3FFD];
	_ =	sdelay $0x3  }
0x96: {  	_ =	strace s3  }
0x97: {  	_ =	strace $0x8FFFFFFF  }
0x98: {  	s19 =	sld [smem:$0x3FDB];
	_ =	sdelay $0x1  }
0x99: {  	s4 =	simm.s32 $_scs_section_size  }
0x9a: {  	s5 =	simm.s32 $_size__tile_overlayer_lowered;
	s6 =	simm.s32 $_tile_overlayer_lowered  }
0x9b: {  	s22 =	simm.s32 $0x1BFF;
	s21 =	sshll.u32 s6, $0x1;
	s3 =	sadd.s32 s4, s19  }
0x9c: {  	s7 =	simm.s32 $0x0;
	s20 =	sshll.u32 s5, $0x1;
	s5 =	sadd.s32 s21, s3  }
0x9d: {  	[timem:s7], [sflag:s22] =	dma.local [hbm:s5], s20  }
0x9e: {  	_ =	swait.ge [sflag:s22], s20  }
0x9f: {  	s4 =	ssub.s32 $0x0, s20;
	[sflag:s22] =	ssyncset.done $0x0  }
0xa0: {  	[sflag:s22] =	ssyncadd.s32 s4;
	_ =	sdelay $0x1  }
0xa1: {  	s23 =	simm.s32 $0x1B8B  }
0xa2: {  	_ =	swait.ge [sflag:s23], $0x1  }
0xa3: {  	[sflag:s23] =	ssyncset.done $0x0  }
0xa4: {  	s25 =	simm.s32 $0x1B8E;
	s24 =	sld [smem:$0x3FFE];
	[sflag:s23] =	ssyncadd.s32 $0xFFFFFFFF  }
0xa5: {  	s26 =	simm.s32 $execute0_lowered;
	[smem:$0x3FD2] =	sst s25  }
0xa6: {  	s5 =	sshll.u32 s26, $0x1;
	_ =	strace $0x80000046;
	[dreg:$0x1] =	wrdreg $0xFFFFFFFF  }
0xa7: {  	s28 =	simm.s32 $_size_execute0_lowered;
	s3 =	sadd.s32 s3, s5;
	[dreg:$0x0] =	wrdreg $0x0  }
0xa8: {  	s5 =	sshll.u32 s28, $0x1;
	[dreg:$0x2] =	wrdreg s3  }
0xa9: {  	[dreg:$0x3] =	wrdreg s5  }
0xaa: {  	[dreg:$0x4] =	wrdreg $0xC0  }
0xab: {  	_ =	task [dreg:s7], $0x5FFFF  }
0xac: {  	[dreg:$0x1] =	wrdreg $0xFFFFFFFF  }
0xad: {  	[dreg:$0x0] =	wrdreg $0x60  }
0xae: {  	[dreg:$0x2] =	wrdreg s24  }
0xaf: {  	[dreg:$0x3] =	wrdreg s2  }
0xb0: {  	[dreg:$0x4] =	wrdreg $0x57800  }
0xb1: {  	[dreg:$0x5] =	wrdreg $0x9  }
0xb2: {  	_ =	task.clear_ibuf [dreg:s7], $0x6FFFF;
	_ =	strace $0x90000046  }
0xb3: {  	s29 =	simm.s32 $0x9;
	_ =	strace $0x80000048  }
0xb4: {  	_ =	swait.ge [sflag:s29], $0x1  }
0xb5: {  	[sflag:s29] =	ssyncadd.s32 $0xFFFFFFFF  }
0xb6: {  	_ =	strace $0x90000048  }
0xb7: {  	_ =	sfence  }
0xb8: {  	s30 =	sld [smem:$0x0];
	_ =	sdelay $0x2  }
0xb9: {  	s31 =	sshll.u32 s1, $0xD;
	s1 =	sshrl.u32 s1, $0x2  }
0xba: {  	s3 =	sand.u32 $0x4000, s31;
	s1 =	sadd.s32 s1, s30  }
0xbb: {  	s0 =	sor.u32 s3, s0;
	s1 =	sshll.u32 s1, $0x11  }
0xbc: {  	s0 =	sor.u32 s1, s0  }
0xbd: {  	s0 =	sadd.s32 $0x8F2B, s0  }
0xbe: {  	[sflag:s0] =	ssyncadd.remote.s32 $0x1  }
0xbf: {  	_ =	sfence.sel $0xFFFF  }
0xc0: {  	[dreg:$0x0] =	wrdreg $0xFFFFFFFF;
	(pc) =	sbr.abs _section_cstart, $3  }
0xc1: {  	[dreg:$0x1] =	wrdreg $0xFFFFFFFF  }
0xc2: {  	_ =	task.clear_ibuf [dreg:s7], $0x2FFFF;
	_ =	strace $0x9FFFFFFF  }
0xc3: {  	(tm) =	ssettm $0x7FFFFFFF  }
tec
execute0_lowered:
.L_overlay_start_1:
0x0: {  	(tag) =	ssettag $0x1  }
0x1: {  	s5 =	rddreg [dreg:$0x0]  }
0x2: {  	s8 =	rddreg [dreg:$0x1]  }
0x3: {  	s0 =	srdreg.scid;
	s2 =	rddreg [dreg:$0x2]  }
0x4: {  	s1 =	rddreg [dreg:$0x3];
	s4 =	sand.u32 $0x1, s0  }
0x5: {  	s3 =	simm.s32 $0x0;
	s0 =	stileid.u32;
	s6 =	smul.u32 $0x27800, s4  }
0x6: {  	s12 =	simm.s32 $0x2780;
	s13 =	simm.s32 $0x80;
	s7 =	smul.u32 $0x2780, s0  }
0x7: {  	s14 =	simm.s32 $0x0;
	[smem:$0x7FF] =	sst s3;
	s30 =	smul.u32 $0x2800, s0  }
0x8: {  	s9 =	smul.u32 $0x28000, s4;
	_ =	strace $0x80000047;
	s31 =	ssub.s32 $0x2, s4  }
0x9: {  	s4 =	sadd.s32 $0xB200, s5;
	s11 =	sshrl.u32 s31, $0x1;
	s6 =	sadd.s32 s7, s6  }
0xa: {  	s9 =	sadd.s32 s30, s9;
	s11 =	ssub.s32 s31, s11;
	s6 =	sshrl.u32 s6, $0x3  }
0xb: {  	s9 =	sshrl.u32 s9, $0x3;
	s10 =	sadd.s32 s6, s5;
	s5 =	sadd.s32 $0xB400, s5  }
0xc: {  	s6 =	sadd.s32 s30, s2;
	s8 =	sadd.s32 s8, s9;
	s9 =	smax.u32 s11, $0x1  }
0xd: {  	s11 =	simm.s32 $0x1;
	s7 =	sadd.s32 $0x1400, s10;
	s10 =	simm.s32 $0x2F80  }
.LBB2_1:
0xe: {  	[tilespmem:s10], [sflag:$0x1] =	stream.linear.gather [hbm4b:s5+s3], $0x2800, $0x38;
	[tilespmem:$0x7F80] =	vst v63  }
0xf: {  	_ =	swait.ge [sflag:s11], $0x2800  }
0x10: {  	[sflag:s11] =	ssyncset.done $0x0  }
0x11: {  	[sflag:s11] =	ssyncadd.s32 $0xFFFFD800  }
0x12: {  	[spmem:s6] =	stream.linear.scatter [tilespmem:s10], [sflag:$0x1], $0x2800, $0x38;
	[tilespmem:$0x7F80] =	vst v63  }
0x13: {  	_ =	swait.ge [sflag:s11], $0x2800  }
0x14: {  	[sflag:s11] =	ssyncset.done $0x0  }
0x15: {  	[sflag:s11] =	ssyncadd.s32 $0xFFFFD800  }
0x16: {  	[tilespmem:s12], [sflag:$0x1] =	stream.linear.gather [hbm4b:s4+s3], $0x800, $0x38;
	[tilespmem:$0x7F80] =	vst v63  }
0x17: {  	_ =	swait.ge [sflag:s11], $0x800  }
0x18: {  	[sflag:s11] =	ssyncset.done $0x0  }
0x19: {  	[sflag:s11] =	ssyncadd.s32 $0xFFFFF800  }
0x1a: {  	[tilespmem:s3], [sflag:$0x1] =	stream.linear.gather [hbm4b:s7+s3], $0x2780, $0x38;
	[tilespmem:$0x7F80] =	vst v63  }
0x1b: {  	_ =	swait.ge [sflag:s11], $0x2780  }
0x1c: {  	[sflag:s11] =	ssyncset.done $0x0  }
0x1d: {  	[sflag:s11] =	ssyncadd.s32 $0xFFFFD880  }
0x1e: {  	s15 =	simm.s32 $0x0;
	[bflag:$0x0] =	sbarrier.arrive $0xFFFF  }
0x1f: {  	[spmem:s2] =	stream.indirect.scatter.add.f32 [tilespmem:s12], [sflag:$0x1], $0x10, s15, s13, $0xb8;
	[tilespmem:$0x7F80] =	vst v63  }
0x20: {  	_ =	swait.ge [sflag:s11], $0x800  }
0x21: {  	s15 =	simm.s32 $0x200;
	[sflag:s11] =	ssyncset.done $0x0  }
.LBB2_2:
0x22: {  	s16 =	sshra.s32 s15, $0x2;
	[sflag:s11] =	ssyncadd.s32 $0xFFFFF800;
	p0 =	sne.s32 s15, $0x9C00  }
0x23: {  	[spmem:s2] =	stream.indirect.scatter.add.f32 [tilespmem:s12], [sflag:$0x1], $0x10, s16, s13, $0xb8;
	[tilespmem:$0x7F80] =	vst v63  }
.Ltmp0:
0x24: {  	_ = 	snop;
	(pc) =	sbr.rel @p0 .LBB2_2-.Ltmp0, $4  }
0x25: {  	_ = 	snop  }
0x26: {  	s15 =	sadd.s32 $0x200, s15  }
0x27: {  	_ =	swait.ge [sflag:s11], $0x800  }
0x28: {  	[sflag:s11] =	ssyncset.done $0x0  }
0x29: {  	[sflag:s11] =	ssyncadd.s32 $0xFFFFF800  }
0x2a: {  	[bflag:$0x0] =	sbarrier.arrive $0xFFFF  }
0x2b: {  	[tilespmem:s10], [sflag:$0x1] =	stream.linear.gather [spmem:s6], $0x2800, $0x38;
	[tilespmem:$0x7F80] =	vst v63  }
0x2c: {  	s14 =	sadd.s32 $0x1, s14;
	_ =	swait.ge [sflag:s11], $0x2800  }
0x2d: {  	p0 =	sne.s32 s14, s9;
	[sflag:s11] =	ssyncset.done $0x0  }
.Ltmp1:
0x2e: {  	[sflag:s11] =	ssyncadd.s32 $0xFFFFD800;
	(pc) =	sbr.rel @p0 .LBB2_1-.Ltmp1, $4  }
0x2f: {  	[hbm4b:s8+s3] =	stream.linear.scatter [tilespmem:s10], [sflag:$0x1], $0x2800, $0x38;
	[tilespmem:$0x7F80] =	vst v63  }
0x30: {  	_ =	swait.ge [sflag:s11], $0x2800  }
0x31: {  	[sflag:s11] =	ssyncset.done $0x0  }
0x32: {  	[sflag:s11] =	ssyncadd.s32 $0xFFFFD800  }
0x33: {  	_ =	sfence.sel $0x180000  }
0x34: {  	[bflag:$0x0] =	sbarrier.arrive $0xFFFF  }
0x35: {  	p0 =	sne.s32 s0, $0x0;
	_ =	strace $0x90000047  }
0x36: {  	s0 =	sadd.s32 @!p0 $0x100000, s1;
	[bflag:$0x2] =	sbarrier.arrive $0xFFFF  }
0x37: {  	[sflag:s0] =	ssyncadd.tile.s32 @!p0 $0x1;
	_ =	shalt  }
.Lfunc_end2:
_tile_overlayer_lowered:
.L_overlay_start_2:
0x38: {  	(tag) =	ssettag $0x2  }
0x39: {  	s0 =	rddreg [dreg:$0x0];
	s2 =	stileid.u32  }
0x3a: {  	s1 =	rddreg [dreg:$0x1];
	p0 =	sne.s32 s2, $0x0  }
0x3b: {  	s3 =	rddreg [dreg:$0x2];
	[bflag:$0x3] =	sbarrier.arrive $0xFFFF;
	s2 =	simm.s32 @!p0 $0x1C01  }
0x3c: {  	[timem:s3], [sflag:s2] =	dma.local @!p0 [hbm:s0], s1  }
0x3d: {  	s0 =	simm.s32 @!p0 $0x1  }
0x3e: {  	_ =	swait.ge @!p0 [sflag:s0], s1  }
0x3f: {  	s1 =	ssub.s32 @!p0 $0x0, s1;
	[sflag:s0] =	ssyncset.done @!p0 $0x0  }
0x40: {  	[sflag:s0] =	ssyncadd.s32 @!p0 s1  }
0x41: {  	[bflag:$0x3] =	sbarrier.arrive $0xFFFF  }
0x42: {  	_ =	shalt  }

</sc_bundles>
